<compile_context>
chip_gen: v7x
topology: tpu7x:2x2x1
jax: 0.10.2.dev20260603
libtpu: 0.0.44.dev20260713+nightly
codegen_flags: <defaults>
</compile_context>

<pallas_src>
import functools

import jax
import jax.numpy as jnp
from jax import lax
from jax.experimental import pallas as pl
from jax.experimental.pallas import tpu as pltpu
from jax.experimental.pallas import tpu_sc as plsc

N = 10000
E = 160000
D = 256
HID = 512
B = 128
OUT = 256
R_H = 128

NT = 16
K = 128
CHUNKS = 79
E_PAD = NT * K * CHUNKS
N_SP = 10240
ROWS_PER_TILE = N_SP // NT
ZROWS = 64

R = 1000
NSTEPS = N // R
ACC_W = D + 2 * HID + 128


def _sc_body(xr_hbm, src_hbm, dst_hbm, out_hbm, idx_src, idx_dst,
             rows0, zbuf, acc_sp, sg0):
    c = lax.axis_index("c")
    s = lax.axis_index("s")

    def _zrow(i, carry):
        for j in range(8):
            zbuf[i, pl.ds(j * 16, 16)] = jnp.zeros((16,), jnp.float32)
        return carry

    lax.fori_loop(0, ZROWS, _zrow, 0)
    for rep in range(640 // ZROWS):
        pltpu.sync_copy(zbuf, acc_sp.at[pl.ds(s * 640 + rep * ZROWS, ZROWS)])
    plsc.subcore_barrier()

    pltpu.sync_copy(src_hbm.at[c, s], idx_src)
    pltpu.sync_copy(dst_hbm.at[s], idx_dst)

    def _chunk(j, carry):
        pltpu.async_copy(xr_hbm.at[idx_src.at[j]], rows0, sg0).wait()
        pltpu.sync_copy(rows0, acc_sp.at[idx_dst.at[j]], add=True)
        return carry

    lax.fori_loop(0, CHUNKS, _chunk, 0)
    plsc.subcore_barrier()

    pltpu.sync_copy(acc_sp.at[pl.ds(s * ROWS_PER_TILE, ROWS_PER_TILE)],
                    out_hbm.at[c, pl.ds(s * ROWS_PER_TILE, ROWS_PER_TILE)])


@functools.lru_cache(maxsize=1)
def _sc_neigh_kernel():
    return pl.kernel(
        _sc_body,
        out_type=jax.ShapeDtypeStruct((2, N_SP, 128), jnp.float32),
        mesh=plsc.VectorSubcoreMesh(core_axis_name="c", subcore_axis_name="s"),
        scratch_types=[
            pltpu.VMEM((CHUNKS, K), jnp.int32),
            pltpu.VMEM((CHUNKS, K), jnp.int32),
            pltpu.VMEM((K, 128), jnp.float32),
            pltpu.VMEM((ZROWS, 128), jnp.float32),
            pltpu.VMEM_SHARED((N_SP, 128), jnp.float32),
            pltpu.SemaphoreType.DMA,
        ],
    )


def _sc_neigh(xr, src2, dst_r):
    return _sc_neigh_kernel()(xr, src2, dst_r)


def _tc_body(x_ref, nlo_ref, nhi_ref, batch_ref, wbig_ref, bcat_ref,
             wr1_ref, br1_ref, wr2_ref, br2_ref, w3a_ref, b3a_ref,
             w3b_ref, b3b_ref, out_ref, acc_ref):
    step = pl.program_id(0)

    @pl.when(step == 0)
    def _():
        acc_ref[...] = jnp.zeros_like(acc_ref)

    xb = x_ref[...]
    cat_in = jnp.concatenate([xb, nlo_ref[0], nhi_ref[0]], axis=1)
    hb = jnp.maximum(
        jnp.dot(cat_in.astype(jnp.bfloat16), wbig_ref[...],
                preferred_element_type=jnp.float32)
        + bcat_ref[0:1, :], 0.0)

    b_ids = batch_ref[0]
    gids = lax.broadcasted_iota(jnp.int32, (B, R), 0)
    onehot = jnp.where(gids == b_ids, 1.0, 0.0).astype(jnp.bfloat16)
    seg_in = jnp.concatenate(
        [xb.astype(jnp.bfloat16), hb.astype(jnp.bfloat16),
         jnp.ones((R, 128), jnp.bfloat16)], axis=1)
    acc_ref[...] += jnp.dot(onehot, seg_in, preferred_element_type=jnp.float32)

    @pl.when(step == NSTEPS - 1)
    def _():
        acc = acc_ref[...]
        cnt = jnp.maximum(acc[:, D + 2 * HID:D + 2 * HID + 1], 1.0)
        px = acc[:, :D] / cnt
        ph = acc[:, D:D + 2 * HID] / cnt
        r1 = jnp.maximum(
            jnp.dot(px, wr1_ref[...], preferred_element_type=jnp.float32)
            + br1_ref[0:1, :], 0.0)
        lg = (jnp.dot(r1, wr2_ref[...], preferred_element_type=jnp.float32)
              + br2_ref[0:1, :])
        l0 = lg[:, 0:1]
        l1 = lg[:, 1:2]
        m = jnp.maximum(l0, l1)
        e0 = jnp.exp(l0 - m)
        e1 = jnp.exp(l1 - m)
        inv = 1.0 / (e0 + e1)
        w0 = e0 * inv
        w1 = e1 * inv
        y = (jnp.dot(w0 * ph[:, :HID], w3a_ref[...],
                     preferred_element_type=jnp.float32)
             + jnp.dot(w1 * ph[:, HID:], w3b_ref[...],
                       preferred_element_type=jnp.float32)
             + w0 * b3a_ref[0:1, :] + w1 * b3b_ref[0:1, :])
        out_ref[...] = y


def _tc_call(x, neigh2, batch3, wbig, bcat, wr1, br1, wr2p, br2p,
             w3a, b3a, w3b, b3b):
    full = lambda shape: pl.BlockSpec(shape, lambda i: (0,) * len(shape))
    return pl.pallas_call(
        _tc_body,
        grid=(NSTEPS,),
        in_specs=[
            pl.BlockSpec((R, D), lambda i: (i, 0)),
            pl.BlockSpec((1, R, 128), lambda i: (0, i, 0)),
            pl.BlockSpec((1, R, 128), lambda i: (1, i, 0)),
            pl.BlockSpec((1, 1, R), lambda i: (i, 0, 0)),
            full((D + 256, 2 * HID)),
            full((8, 2 * HID)),
            full((D, R_H)),
            full((8, R_H)),
            full((R_H, 128)),
            full((8, 128)),
            full((HID, OUT)),
            full((8, OUT)),
            full((HID, OUT)),
            full((8, OUT)),
        ],
        out_specs=pl.BlockSpec((B, OUT), lambda i: (0, 0)),
        out_shape=jax.ShapeDtypeStruct((B, OUT), jnp.float32),
        scratch_shapes=[pltpu.VMEM((B, ACC_W), jnp.float32)],
        compiler_params=pltpu.CompilerParams(
            dimension_semantics=("arbitrary",)),
    )(x, neigh2, neigh2, batch3, wbig, bcat, wr1, br1, wr2p, br2p,
      w3a, b3a, w3b, b3b)


def kernel(x, edge_index, batch, Wr1, br1, Wr2, br2,
           W1a, W2a, ba, W3a, b3a, W1b, W2b, bb, W3b, b3b):
    src = edge_index[0]
    dst = edge_index[1]

    pad = E_PAD - E
    src_p = jnp.concatenate([src, jnp.zeros((pad,), jnp.int32)])
    dst_p = jnp.concatenate([dst, jnp.full((pad,), N, jnp.int32)])
    src2 = jnp.stack([2 * src_p, 2 * src_p + 1]).reshape(
        2, NT, CHUNKS, K)
    dst_r = dst_p.reshape(NT, CHUNKS, K)
    xr = x.reshape(2 * N, 128)

    neigh2 = _sc_neigh(xr, src2, dst_r)

    mask = jnp.concatenate([jnp.ones((D - 5,), x.dtype),
                            jnp.zeros((5,), x.dtype)])[:, None]
    w1cat = jnp.concatenate([W1a, W1b * mask], axis=1)
    w2cat = jnp.concatenate([W2a, W2b * mask], axis=1)
    wbig = jnp.concatenate([w1cat, w2cat[:128], w2cat[128:]],
                           axis=0).astype(jnp.bfloat16)
    bcat = jnp.broadcast_to(jnp.concatenate([ba, bb]), (8, 2 * HID))

    wr2p = jnp.zeros((R_H, 128), jnp.float32).at[:, :2].set(Wr2)
    br2p = jnp.broadcast_to(
        jnp.zeros((128,), jnp.float32).at[:2].set(br2), (8, 128))
    br1b = jnp.broadcast_to(br1, (8, R_H))
    b3ab = jnp.broadcast_to(b3a, (8, OUT))
    b3bb = jnp.broadcast_to(b3b, (8, OUT))
    batch3 = batch.reshape(NSTEPS, 1, R)

    return _tc_call(x, neigh2, batch3, wbig, bcat, Wr1, br1b, wr2p, br2p,
                    W3a, b3ab, W3b, b3bb)

# --- scband reference (transcript-rebuilt; emitter-appended) ---
"""Pipeline reference for scband-mo-e-e-76570676953318 (READ-ONLY COPY).

The authoritative reference and input builder live on the scoring server;
editing this copy changes nothing except your own understanding.
"""

import jax, jax.numpy as jnp
import numpy as np

N = 10000
E = 160000
D = 256
H = 512
B = 128
OUT = 256
R_H = 128
NUM_EXPERTS = 2


def setup_inputs(seed: int = 0) -> dict:
    key = jax.random.key(seed)
    ks = jax.random.split(key, 20)
    x = jax.random.normal(ks[0], (N, D), dtype=jnp.float32)
    edge_index = jax.random.randint(ks[1], (2, E), 0, N, dtype=jnp.int32)
    batch = jnp.sort(jax.random.randint(ks[2], (N,), 0, B, dtype=jnp.int32))
    s = lambda *sh: 1.0 / np.sqrt(sh[0])
    # Router MLP params
    Wr1 = jax.random.normal(ks[3], (D, R_H), dtype=jnp.float32) * s(D)
    br1 = jnp.zeros((R_H,), dtype=jnp.float32)
    Wr2 = jax.random.normal(ks[4], (R_H, NUM_EXPERTS), dtype=jnp.float32) * s(R_H)
    br2 = jnp.zeros((NUM_EXPERTS,), dtype=jnp.float32)
    # Expert 0 (GNN) params: self transform, neighbor transform, output head
    W1a = jax.random.normal(ks[5], (D, H), dtype=jnp.float32) * s(D)
    W2a = jax.random.normal(ks[6], (D, H), dtype=jnp.float32) * s(D)
    ba = jnp.zeros((H,), dtype=jnp.float32)
    W3a = jax.random.normal(ks[7], (H, OUT), dtype=jnp.float32) * s(H)
    b3a = jnp.zeros((OUT,), dtype=jnp.float32)
    # Expert 1 (GNN, sees feature-masked input) params
    W1b = jax.random.normal(ks[8], (D, H), dtype=jnp.float32) * s(D)
    W2b = jax.random.normal(ks[9], (D, H), dtype=jnp.float32) * s(D)
    bb = jnp.zeros((H,), dtype=jnp.float32)
    W3b = jax.random.normal(ks[10], (H, OUT), dtype=jnp.float32) * s(H)
    b3b = jnp.zeros((OUT,), dtype=jnp.float32)
    return {"x": x, "edge_index": edge_index, "batch": batch,
            "Wr1": Wr1, "br1": br1, "Wr2": Wr2, "br2": br2,
            "W1a": W1a, "W2a": W2a, "ba": ba, "W3a": W3a, "b3a": b3a,
            "W1b": W1b, "W2b": W2b, "bb": bb, "W3b": W3b, "b3b": b3b}


def _segment_mean(h, seg, num_segments):
    s = jax.ops.segment_sum(h, seg, num_segments=num_segments)
    c = jax.ops.segment_sum(jnp.ones((h.shape[0], 1), dtype=h.dtype), seg, num_segments=num_segments)
    return s / jnp.maximum(c, 1.0)


def _expert(xin, edge_index, batch, W1, W2, b, W3, b3):
    src = edge_index[0]
    dst = edge_index[1]
    # message passing: sum-aggregate neighbor features (gather + scatter-add)
    neigh = jax.ops.segment_sum(xin[src], dst, num_segments=N)
    h = jax.nn.relu(xin @ W1 + neigh @ W2 + b)
    pooled = _segment_mean(h, batch, B)
    return pooled @ W3 + b3


def reference(x, edge_index, batch, Wr1, br1, Wr2, br2,
              W1a, W2a, ba, W3a, b3a, W1b, W2b, bb, W3b, b3b):
    # Router: mean-pool node features per graph, then MLP -> logits per graph
    pooled_x = _segment_mean(x, batch, B)
    logits = jax.nn.relu(pooled_x @ Wr1 + br1) @ Wr2 + br2
    weights = jax.nn.softmax(logits, axis=-1)
    # Feature mask for expert 1: zero out last 5 input dims
    projection = jnp.concatenate([jnp.ones((D - 5,), dtype=x.dtype), jnp.zeros((5,), dtype=x.dtype)])
    out0 = _expert(x, edge_index, batch, W1a, W2a, ba, W3a, b3a)
    out1 = _expert(x * projection, edge_index, batch, W1b, W2b, bb, W3b, b3b)
    y = weights[:, 0:1] * out0 + weights[:, 1:2] * out1
    return y

if __name__ == "__main__":
    import jax
    _d = setup_inputs()
    print(jax.jit(kernel)(*tuple(_d.values())))

</pallas_src>

<mosaic_0001>
#map = affine_map<(d0, d1) -> (0, 0)>
#map1 = affine_map<(d0, d1) -> (0, 0, 0, 0)>
#map2 = affine_map<(d0, d1) -> (0, 0, 0)>
module attributes {stable_mosaic.version = 14 : i64} {
  func.func @_sc_body(%arg0: i32, %arg1: i32, %arg2: memref<20000x128xf32, #tpu.memory_space<hbm>>, %arg3: memref<2x16x79x128xi32, #tpu.memory_space<hbm>>, %arg4: memref<16x79x128xi32, #tpu.memory_space<hbm>>, %arg5: memref<2x10240x128xf32, #tpu.memory_space<hbm>>, %arg6: memref<79x128xi32, #tpu.memory_space<vmem>>, %arg7: memref<79x128xi32, #tpu.memory_space<vmem>>, %arg8: memref<128x128xf32, #tpu.memory_space<vmem>>, %arg9: memref<64x128xf32, #tpu.memory_space<vmem>>, %arg10: memref<10240x128xf32, #tpu.memory_space<vmem_shared>>, %arg11: memref<!tpu.dma_semaphore, #tpu.memory_space<semaphore_mem>>) attributes {dimension_semantics = [#tpu.dimension_semantics<core_parallel>, #tpu.dimension_semantics<subcore_parallel>], iteration_bounds = array<i64: 2, 16>, scalar_prefetch = 0 : i64, scratch_operands = 6 : i64, tpu.core_type = #tpu.core_type<sc_vector_subcore>, window_params = [{transform_indices = #map}, {transform_indices = #map1}, {transform_indices = #map2}, {transform_indices = #map2}]} {
    %scan3A = arith.constant 0 : i32
    %scan3A_0 = arith.constant 0 : i32
    %scan3A_1 = arith.constant 64 : i32
    %scan3A_2 = arith.addi %scan3A_0, %scan3A_1 : i32
    %scan3A_3 = arith.constant 1 : i32
    scf.for %scan3A_54 = %scan3A_0 to %scan3A_2 step %scan3A_3  : i32 {
      %broadcast_in_dim3A = arith.constant 0.000000e+00 : f32
      %broadcast_in_dim3A_55 = vector.broadcast %broadcast_in_dim3A : f32 to vector<16xf32>
      %swap3A = arith.index_cast %scan3A_54 : i32 to index
      %swap3A_56 = arith.constant 0 : index
      %swap3A_57 = tpu.vector_load %arg9[%swap3A, %swap3A_56] {strides = array<i32>} : memref<64x128xf32, #tpu.memory_space<vmem>>, vector<1x16xf32>,
      %swap3A_58 = vector.shape_cast %swap3A_57 : vector<1x16xf32> to vector<16xf32>
      %swap3A_59 = vector.shape_cast %broadcast_in_dim3A_55 : vector<16xf32> to vector<1x16xf32>
      tpu.vector_store %arg9[%swap3A, %swap3A_56], %swap3A_59 {strides = array<i32>} : memref<64x128xf32, #tpu.memory_space<vmem>>, vector<1x16xf32>,
      %broadcast_in_dim3A_60 = arith.constant 0.000000e+00 : f32
      %broadcast_in_dim3A_61 = vector.broadcast %broadcast_in_dim3A_60 : f32 to vector<16xf32>
      %swap3A_62 = arith.index_cast %scan3A_54 : i32 to index
      %swap3A_63 = arith.constant 16 : index
      %swap3A_64 = tpu.vector_load %arg9[%swap3A_62, %swap3A_63] {strides = array<i32>} : memref<64x128xf32, #tpu.memory_space<vmem>>, vector<1x16xf32>,
      %swap3A_65 = vector.shape_cast %swap3A_64 : vector<1x16xf32> to vector<16xf32>
      %swap3A_66 = vector.shape_cast %broadcast_in_dim3A_61 : vector<16xf32> to vector<1x16xf32>
      tpu.vector_store %arg9[%swap3A_62, %swap3A_63], %swap3A_66 {strides = array<i32>} : memref<64x128xf32, #tpu.memory_space<vmem>>, vector<1x16xf32>,
      %broadcast_in_dim3A_67 = arith.constant 0.000000e+00 : f32
      %broadcast_in_dim3A_68 = vector.broadcast %broadcast_in_dim3A_67 : f32 to vector<16xf32>
      %swap3A_69 = arith.index_cast %scan3A_54 : i32 to index
      %swap3A_70 = arith.constant 32 : index
      %swap3A_71 = tpu.vector_load %arg9[%swap3A_69, %swap3A_70] {strides = array<i32>} : memref<64x128xf32, #tpu.memory_space<vmem>>, vector<1x16xf32>,
      %swap3A_72 = vector.shape_cast %swap3A_71 : vector<1x16xf32> to vector<16xf32>
      %swap3A_73 = vector.shape_cast %broadcast_in_dim3A_68 : vector<16xf32> to vector<1x16xf32>
      tpu.vector_store %arg9[%swap3A_69, %swap3A_70], %swap3A_73 {strides = array<i32>} : memref<64x128xf32, #tpu.memory_space<vmem>>, vector<1x16xf32>,
      %broadcast_in_dim3A_74 = arith.constant 0.000000e+00 : f32
      %broadcast_in_dim3A_75 = vector.broadcast %broadcast_in_dim3A_74 : f32 to vector<16xf32>
      %swap3A_76 = arith.index_cast %scan3A_54 : i32 to index
      %swap3A_77 = arith.constant 48 : index
      %swap3A_78 = tpu.vector_load %arg9[%swap3A_76, %swap3A_77] {strides = array<i32>} : memref<64x128xf32, #tpu.memory_space<vmem>>, vector<1x16xf32>,
      %swap3A_79 = vector.shape_cast %swap3A_78 : vector<1x16xf32> to vector<16xf32>
      %swap3A_80 = vector.shape_cast %broadcast_in_dim3A_75 : vector<16xf32> to vector<1x16xf32>
      tpu.vector_store %arg9[%swap3A_76, %swap3A_77], %swap3A_80 {strides = array<i32>} : memref<64x128xf32, #tpu.memory_space<vmem>>, vector<1x16xf32>,
      %broadcast_in_dim3A_81 = arith.constant 0.000000e+00 : f32
      %broadcast_in_dim3A_82 = vector.broadcast %broadcast_in_dim3A_81 : f32 to vector<16xf32>
      %swap3A_83 = arith.index_cast %scan3A_54 : i32 to index
      %swap3A_84 = arith.constant 64 : index
      %swap3A_85 = tpu.vector_load %arg9[%swap3A_83, %swap3A_84] {strides = array<i32>} : memref<64x128xf32, #tpu.memory_space<vmem>>, vector<1x16xf32>,
      %swap3A_86 = vector.shape_cast %swap3A_85 : vector<1x16xf32> to vector<16xf32>
      %swap3A_87 = vector.shape_cast %broadcast_in_dim3A_82 : vector<16xf32> to vector<1x16xf32>
      tpu.vector_store %arg9[%swap3A_83, %swap3A_84], %swap3A_87 {strides = array<i32>} : memref<64x128xf32, #tpu.memory_space<vmem>>, vector<1x16xf32>,
      %broadcast_in_dim3A_88 = arith.constant 0.000000e+00 : f32
      %broadcast_in_dim3A_89 = vector.broadcast %broadcast_in_dim3A_88 : f32 to vector<16xf32>
      %swap3A_90 = arith.index_cast %scan3A_54 : i32 to index
      %swap3A_91 = arith.constant 80 : index
      %swap3A_92 = tpu.vector_load %arg9[%swap3A_90, %swap3A_91] {strides = array<i32>} : memref<64x128xf32, #tpu.memory_space<vmem>>, vector<1x16xf32>,
      %swap3A_93 = vector.shape_cast %swap3A_92 : vector<1x16xf32> to vector<16xf32>
      %swap3A_94 = vector.shape_cast %broadcast_in_dim3A_89 : vector<16xf32> to vector<1x16xf32>
      tpu.vector_store %arg9[%swap3A_90, %swap3A_91], %swap3A_94 {strides = array<i32>} : memref<64x128xf32, #tpu.memory_space<vmem>>, vector<1x16xf32>,
      %broadcast_in_dim3A_95 = arith.constant 0.000000e+00 : f32
      %broadcast_in_dim3A_96 = vector.broadcast %broadcast_in_dim3A_95 : f32 to vector<16xf32>
      %swap3A_97 = arith.index_cast %scan3A_54 : i32 to index
      %swap3A_98 = arith.constant 96 : index
      %swap3A_99 = tpu.vector_load %arg9[%swap3A_97, %swap3A_98] {strides = array<i32>} : memref<64x128xf32, #tpu.memory_space<vmem>>, vector<1x16xf32>,
      %swap3A_100 = vector.shape_cast %swap3A_99 : vector<1x16xf32> to vector<16xf32>
      %swap3A_101 = vector.shape_cast %broadcast_in_dim3A_96 : vector<16xf32> to vector<1x16xf32>
      tpu.vector_store %arg9[%swap3A_97, %swap3A_98], %swap3A_101 {strides = array<i32>} : memref<64x128xf32, #tpu.memory_space<vmem>>, vector<1x16xf32>,
      %broadcast_in_dim3A_102 = arith.constant 0.000000e+00 : f32
      %broadcast_in_dim3A_103 = vector.broadcast %broadcast_in_dim3A_102 : f32 to vector<16xf32>
      %swap3A_104 = arith.index_cast %scan3A_54 : i32 to index
      %swap3A_105 = arith.constant 112 : index
      %swap3A_106 = tpu.vector_load %arg9[%swap3A_104, %swap3A_105] {strides = array<i32>} : memref<64x128xf32, #tpu.memory_space<vmem>>, vector<1x16xf32>,
      %swap3A_107 = vector.shape_cast %swap3A_106 : vector<1x16xf32> to vector<16xf32>
      %swap3A_108 = vector.shape_cast %broadcast_in_dim3A_103 : vector<16xf32> to vector<1x16xf32>
      tpu.vector_store %arg9[%swap3A_104, %swap3A_105], %swap3A_108 {strides = array<i32>} : memref<64x128xf32, #tpu.memory_space<vmem>>, vector<1x16xf32>,
    }
    %scan3A_4 = arith.constant 64 : i32
    %mul3A = arith.constant 640 : i32
    %mul3A_5 = arith.muli %arg1, %mul3A : i32
    %add3A = arith.constant 0 : i32
    %add3A_6 = arith.addi %mul3A_5, %add3A : i32
    "tpu.region"() ({
      %run_scoped3A = tpu.sem_alloc : memref<!tpu.dma_semaphore, #tpu.memory_space<semaphore_mem>>
      %dma_start3A = arith.constant 0 : i32
      %dma_start3A_54 = tpu.memref_slice %arg10[%add3A_6, %dma_start3A] : memref<10240x128xf32, #tpu.memory_space<vmem_shared>> -> memref<64x128xf32, #tpu.memory_space<vmem_shared>>
      %dma_start3A_55 = arith.constant 0 : i32
      %dma_start3A_56 = tpu.memref_slice %arg10[%add3A_6, %dma_start3A_55] : memref<10240x128xf32, #tpu.memory_space<vmem_shared>> -> memref<64x128xf32, #tpu.memory_space<vmem_shared>>
      tpu.enqueue_dma source(%arg9 : memref<64x128xf32, #tpu.memory_space<vmem>>) target(%dma_start3A_56 : memref<64x128xf32, #tpu.memory_space<vmem_shared>>) target_semaphore(%run_scoped3A : memref<!tpu.dma_semaphore, #tpu.memory_space<semaphore_mem>>)
      %dma_wait3A = arith.constant 0 : i32
      %dma_wait3A_57 = tpu.memref_slice %arg10[%add3A_6, %dma_wait3A] : memref<10240x128xf32, #tpu.memory_space<vmem_shared>> -> memref<64x128xf32, #tpu.memory_space<vmem_shared>>
      %dma_wait3A_58 = arith.constant 0 : i32
      %dma_wait3A_59 = tpu.memref_slice %arg10[%add3A_6, %dma_wait3A_58] : memref<10240x128xf32, #tpu.memory_space<vmem_shared>> -> memref<64x128xf32, #tpu.memory_space<vmem_shared>>
      tpu.wait_dma2 semaphore(%run_scoped3A : memref<!tpu.dma_semaphore, #tpu.memory_space<semaphore_mem>>) src(%arg9 : memref<64x128xf32, #tpu.memory_space<vmem>>) dst(%dma_wait3A_59 : memref<64x128xf32, #tpu.memory_space<vmem_shared>>)
      tpu.yield
    }) : () -> ()
    %mul3A_7 = arith.constant 640 : i32
    %mul3A_8 = arith.muli %arg1, %mul3A_7 : i32
    %add3A_9 = arith.constant 64 : i32
    %add3A_10 = arith.addi %mul3A_8, %add3A_9 : i32
    "tpu.region"() ({
      %run_scoped3A = tpu.sem_alloc : memref<!tpu.dma_semaphore, #tpu.memory_space<semaphore_mem>>
      %dma_start3A = arith.constant 0 : i32
      %dma_start3A_54 = tpu.memref_slice %arg10[%add3A_10, %dma_start3A] : memref<10240x128xf32, #tpu.memory_space<vmem_shared>> -> memref<64x128xf32, #tpu.memory_space<vmem_shared>>
      %dma_start3A_55 = arith.constant 0 : i32
      %dma_start3A_56 = tpu.memref_slice %arg10[%add3A_10, %dma_start3A_55] : memref<10240x128xf32, #tpu.memory_space<vmem_shared>> -> memref<64x128xf32, #tpu.memory_space<vmem_shared>>
      tpu.enqueue_dma source(%arg9 : memref<64x128xf32, #tpu.memory_space<vmem>>) target(%dma_start3A_56 : memref<64x128xf32, #tpu.memory_space<vmem_shared>>) target_semaphore(%run_scoped3A : memref<!tpu.dma_semaphore, #tpu.memory_space<semaphore_mem>>)
      %dma_wait3A = arith.constant 0 : i32
      %dma_wait3A_57 = tpu.memref_slice %arg10[%add3A_10, %dma_wait3A] : memref<10240x128xf32, #tpu.memory_space<vmem_shared>> -> memref<64x128xf32, #tpu.memory_space<vmem_shared>>
      %dma_wait3A_58 = arith.constant 0 : i32
      %dma_wait3A_59 = tpu.memref_slice %arg10[%add3A_10, %dma_wait3A_58] : memref<10240x128xf32, #tpu.memory_space<vmem_shared>> -> memref<64x128xf32, #tpu.memory_space<vmem_shared>>
      tpu.wait_dma2 semaphore(%run_scoped3A : memref<!tpu.dma_semaphore, #tpu.memory_space<semaphore_mem>>) src(%arg9 : memref<64x128xf32, #tpu.memory_space<vmem>>) dst(%dma_wait3A_59 : memref<64x128xf32, #tpu.memory_space<vmem_shared>>)
      tpu.yield
    }) : () -> ()
    %mul3A_11 = arith.constant 640 : i32
    %mul3A_12 = arith.muli %arg1, %mul3A_11 : i32
    %add3A_13 = arith.constant 128 : i32
    %add3A_14 = arith.addi %mul3A_12, %add3A_13 : i32
    "tpu.region"() ({
      %run_scoped3A = tpu.sem_alloc : memref<!tpu.dma_semaphore, #tpu.memory_space<semaphore_mem>>
      %dma_start3A = arith.constant 0 : i32
      %dma_start3A_54 = tpu.memref_slice %arg10[%add3A_14, %dma_start3A] : memref<10240x128xf32, #tpu.memory_space<vmem_shared>> -> memref<64x128xf32, #tpu.memory_space<vmem_shared>>
      %dma_start3A_55 = arith.constant 0 : i32
      %dma_start3A_56 = tpu.memref_slice %arg10[%add3A_14, %dma_start3A_55] : memref<10240x128xf32, #tpu.memory_space<vmem_shared>> -> memref<64x128xf32, #tpu.memory_space<vmem_shared>>
      tpu.enqueue_dma source(%arg9 : memref<64x128xf32, #tpu.memory_space<vmem>>) target(%dma_start3A_56 : memref<64x128xf32, #tpu.memory_space<vmem_shared>>) target_semaphore(%run_scoped3A : memref<!tpu.dma_semaphore, #tpu.memory_space<semaphore_mem>>)
      %dma_wait3A = arith.constant 0 : i32
      %dma_wait3A_57 = tpu.memref_slice %arg10[%add3A_14, %dma_wait3A] : memref<10240x128xf32, #tpu.memory_space<vmem_shared>> -> memref<64x128xf32, #tpu.memory_space<vmem_shared>>
      %dma_wait3A_58 = arith.constant 0 : i32
      %dma_wait3A_59 = tpu.memref_slice %arg10[%add3A_14, %dma_wait3A_58] : memref<10240x128xf32, #tpu.memory_space<vmem_shared>> -> memref<64x128xf32, #tpu.memory_space<vmem_shared>>
      tpu.wait_dma2 semaphore(%run_scoped3A : memref<!tpu.dma_semaphore, #tpu.memory_space<semaphore_mem>>) src(%arg9 : memref<64x128xf32, #tpu.memory_space<vmem>>) dst(%dma_wait3A_59 : memref<64x128xf32, #tpu.memory_space<vmem_shared>>)
      tpu.yield
    }) : () -> ()
    %mul3A_15 = arith.constant 640 : i32
    %mul3A_16 = arith.muli %arg1, %mul3A_15 : i32
    %add3A_17 = arith.constant 192 : i32
    %add3A_18 = arith.addi %mul3A_16, %add3A_17 : i32
    "tpu.region"() ({
      %run_scoped3A = tpu.sem_alloc : memref<!tpu.dma_semaphore, #tpu.memory_space<semaphore_mem>>
      %dma_start3A = arith.constant 0 : i32
      %dma_start3A_54 = tpu.memref_slice %arg10[%add3A_18, %dma_start3A] : memref<10240x128xf32, #tpu.memory_space<vmem_shared>> -> memref<64x128xf32, #tpu.memory_space<vmem_shared>>
      %dma_start3A_55 = arith.constant 0 : i32
      %dma_start3A_56 = tpu.memref_slice %arg10[%add3A_18, %dma_start3A_55] : memref<10240x128xf32, #tpu.memory_space<vmem_shared>> -> memref<64x128xf32, #tpu.memory_space<vmem_shared>>
      tpu.enqueue_dma source(%arg9 : memref<64x128xf32, #tpu.memory_space<vmem>>) target(%dma_start3A_56 : memref<64x128xf32, #tpu.memory_space<vmem_shared>>) target_semaphore(%run_scoped3A : memref<!tpu.dma_semaphore, #tpu.memory_space<semaphore_mem>>)
      %dma_wait3A = arith.constant 0 : i32
      %dma_wait3A_57 = tpu.memref_slice %arg10[%add3A_18, %dma_wait3A] : memref<10240x128xf32, #tpu.memory_space<vmem_shared>> -> memref<64x128xf32, #tpu.memory_space<vmem_shared>>
      %dma_wait3A_58 = arith.constant 0 : i32
      %dma_wait3A_59 = tpu.memref_slice %arg10[%add3A_18, %dma_wait3A_58] : memref<10240x128xf32, #tpu.memory_space<vmem_shared>> -> memref<64x128xf32, #tpu.memory_space<vmem_shared>>
      tpu.wait_dma2 semaphore(%run_scoped3A : memref<!tpu.dma_semaphore, #tpu.memory_space<semaphore_mem>>) src(%arg9 : memref<64x128xf32, #tpu.memory_space<vmem>>) dst(%dma_wait3A_59 : memref<64x128xf32, #tpu.memory_space<vmem_shared>>)
      tpu.yield
    }) : () -> ()
    %mul3A_19 = arith.constant 640 : i32
    %mul3A_20 = arith.muli %arg1, %mul3A_19 : i32
    %add3A_21 = arith.constant 256 : i32
    %add3A_22 = arith.addi %mul3A_20, %add3A_21 : i32
    "tpu.region"() ({
      %run_scoped3A = tpu.sem_alloc : memref<!tpu.dma_semaphore, #tpu.memory_space<semaphore_mem>>
      %dma_start3A = arith.constant 0 : i32
      %dma_start3A_54 = tpu.memref_slice %arg10[%add3A_22, %dma_start3A] : memref<10240x128xf32, #tpu.memory_space<vmem_shared>> -> memref<64x128xf32, #tpu.memory_space<vmem_shared>>
      %dma_start3A_55 = arith.constant 0 : i32
      %dma_start3A_56 = tpu.memref_slice %arg10[%add3A_22, %dma_start3A_55] : memref<10240x128xf32, #tpu.memory_space<vmem_shared>> -> memref<64x128xf32, #tpu.memory_space<vmem_shared>>
      tpu.enqueue_dma source(%arg9 : memref<64x128xf32, #tpu.memory_space<vmem>>) target(%dma_start3A_56 : memref<64x128xf32, #tpu.memory_space<vmem_shared>>) target_semaphore(%run_scoped3A : memref<!tpu.dma_semaphore, #tpu.memory_space<semaphore_mem>>)
      %dma_wait3A = arith.constant 0 : i32
      %dma_wait3A_57 = tpu.memref_slice %arg10[%add3A_22, %dma_wait3A] : memref<10240x128xf32, #tpu.memory_space<vmem_shared>> -> memref<64x128xf32, #tpu.memory_space<vmem_shared>>
      %dma_wait3A_58 = arith.constant 0 : i32
      %dma_wait3A_59 = tpu.memref_slice %arg10[%add3A_22, %dma_wait3A_58] : memref<10240x128xf32, #tpu.memory_space<vmem_shared>> -> memref<64x128xf32, #tpu.memory_space<vmem_shared>>
      tpu.wait_dma2 semaphore(%run_scoped3A : memref<!tpu.dma_semaphore, #tpu.memory_space<semaphore_mem>>) src(%arg9 : memref<64x128xf32, #tpu.memory_space<vmem>>) dst(%dma_wait3A_59 : memref<64x128xf32, #tpu.memory_space<vmem_shared>>)
      tpu.yield
    }) : () -> ()
    %mul3A_23 = arith.constant 640 : i32
    %mul3A_24 = arith.muli %arg1, %mul3A_23 : i32
    %add3A_25 = arith.constant 320 : i32
    %add3A_26 = arith.addi %mul3A_24, %add3A_25 : i32
    "tpu.region"() ({
      %run_scoped3A = tpu.sem_alloc : memref<!tpu.dma_semaphore, #tpu.memory_space<semaphore_mem>>
      %dma_start3A = arith.constant 0 : i32
      %dma_start3A_54 = tpu.memref_slice %arg10[%add3A_26, %dma_start3A] : memref<10240x128xf32, #tpu.memory_space<vmem_shared>> -> memref<64x128xf32, #tpu.memory_space<vmem_shared>>
      %dma_start3A_55 = arith.constant 0 : i32
      %dma_start3A_56 = tpu.memref_slice %arg10[%add3A_26, %dma_start3A_55] : memref<10240x128xf32, #tpu.memory_space<vmem_shared>> -> memref<64x128xf32, #tpu.memory_space<vmem_shared>>
      tpu.enqueue_dma source(%arg9 : memref<64x128xf32, #tpu.memory_space<vmem>>) target(%dma_start3A_56 : memref<64x128xf32, #tpu.memory_space<vmem_shared>>) target_semaphore(%run_scoped3A : memref<!tpu.dma_semaphore, #tpu.memory_space<semaphore_mem>>)
      %dma_wait3A = arith.constant 0 : i32
      %dma_wait3A_57 = tpu.memref_slice %arg10[%add3A_26, %dma_wait3A] : memref<10240x128xf32, #tpu.memory_space<vmem_shared>> -> memref<64x128xf32, #tpu.memory_space<vmem_shared>>
      %dma_wait3A_58 = arith.constant 0 : i32
      %dma_wait3A_59 = tpu.memref_slice %arg10[%add3A_26, %dma_wait3A_58] : memref<10240x128xf32, #tpu.memory_space<vmem_shared>> -> memref<64x128xf32, #tpu.memory_space<vmem_shared>>
      tpu.wait_dma2 semaphore(%run_scoped3A : memref<!tpu.dma_semaphore, #tpu.memory_space<semaphore_mem>>) src(%arg9 : memref<64x128xf32, #tpu.memory_space<vmem>>) dst(%dma_wait3A_59 : memref<64x128xf32, #tpu.memory_space<vmem_shared>>)
      tpu.yield
    }) : () -> ()
    %mul3A_27 = arith.constant 640 : i32
    %mul3A_28 = arith.muli %arg1, %mul3A_27 : i32
    %add3A_29 = arith.constant 384 : i32
    %add3A_30 = arith.addi %mul3A_28, %add3A_29 : i32
    "tpu.region"() ({
      %run_scoped3A = tpu.sem_alloc : memref<!tpu.dma_semaphore, #tpu.memory_space<semaphore_mem>>
      %dma_start3A = arith.constant 0 : i32
      %dma_start3A_54 = tpu.memref_slice %arg10[%add3A_30, %dma_start3A] : memref<10240x128xf32, #tpu.memory_space<vmem_shared>> -> memref<64x128xf32, #tpu.memory_space<vmem_shared>>
      %dma_start3A_55 = arith.constant 0 : i32
      %dma_start3A_56 = tpu.memref_slice %arg10[%add3A_30, %dma_start3A_55] : memref<10240x128xf32, #tpu.memory_space<vmem_shared>> -> memref<64x128xf32, #tpu.memory_space<vmem_shared>>
      tpu.enqueue_dma source(%arg9 : memref<64x128xf32, #tpu.memory_space<vmem>>) target(%dma_start3A_56 : memref<64x128xf32, #tpu.memory_space<vmem_shared>>) target_semaphore(%run_scoped3A : memref<!tpu.dma_semaphore, #tpu.memory_space<semaphore_mem>>)
      %dma_wait3A = arith.constant 0 : i32
      %dma_wait3A_57 = tpu.memref_slice %arg10[%add3A_30, %dma_wait3A] : memref<10240x128xf32, #tpu.memory_space<vmem_shared>> -> memref<64x128xf32, #tpu.memory_space<vmem_shared>>
      %dma_wait3A_58 = arith.constant 0 : i32
      %dma_wait3A_59 = tpu.memref_slice %arg10[%add3A_30, %dma_wait3A_58] : memref<10240x128xf32, #tpu.memory_space<vmem_shared>> -> memref<64x128xf32, #tpu.memory_space<vmem_shared>>
      tpu.wait_dma2 semaphore(%run_scoped3A : memref<!tpu.dma_semaphore, #tpu.memory_space<semaphore_mem>>) src(%arg9 : memref<64x128xf32, #tpu.memory_space<vmem>>) dst(%dma_wait3A_59 : memref<64x128xf32, #tpu.memory_space<vmem_shared>>)
      tpu.yield
    }) : () -> ()
    %mul3A_31 = arith.constant 640 : i32
    %mul3A_32 = arith.muli %arg1, %mul3A_31 : i32
    %add3A_33 = arith.constant 448 : i32
    %add3A_34 = arith.addi %mul3A_32, %add3A_33 : i32
    "tpu.region"() ({
      %run_scoped3A = tpu.sem_alloc : memref<!tpu.dma_semaphore, #tpu.memory_space<semaphore_mem>>
      %dma_start3A = arith.constant 0 : i32
      %dma_start3A_54 = tpu.memref_slice %arg10[%add3A_34, %dma_start3A] : memref<10240x128xf32, #tpu.memory_space<vmem_shared>> -> memref<64x128xf32, #tpu.memory_space<vmem_shared>>
      %dma_start3A_55 = arith.constant 0 : i32
      %dma_start3A_56 = tpu.memref_slice %arg10[%add3A_34, %dma_start3A_55] : memref<10240x128xf32, #tpu.memory_space<vmem_shared>> -> memref<64x128xf32, #tpu.memory_space<vmem_shared>>
      tpu.enqueue_dma source(%arg9 : memref<64x128xf32, #tpu.memory_space<vmem>>) target(%dma_start3A_56 : memref<64x128xf32, #tpu.memory_space<vmem_shared>>) target_semaphore(%run_scoped3A : memref<!tpu.dma_semaphore, #tpu.memory_space<semaphore_mem>>)
      %dma_wait3A = arith.constant 0 : i32
      %dma_wait3A_57 = tpu.memref_slice %arg10[%add3A_34, %dma_wait3A] : memref<10240x128xf32, #tpu.memory_space<vmem_shared>> -> memref<64x128xf32, #tpu.memory_space<vmem_shared>>
      %dma_wait3A_58 = arith.constant 0 : i32
      %dma_wait3A_59 = tpu.memref_slice %arg10[%add3A_34, %dma_wait3A_58] : memref<10240x128xf32, #tpu.memory_space<vmem_shared>> -> memref<64x128xf32, #tpu.memory_space<vmem_shared>>
      tpu.wait_dma2 semaphore(%run_scoped3A : memref<!tpu.dma_semaphore, #tpu.memory_space<semaphore_mem>>) src(%arg9 : memref<64x128xf32, #tpu.memory_space<vmem>>) dst(%dma_wait3A_59 : memref<64x128xf32, #tpu.memory_space<vmem_shared>>)
      tpu.yield
    }) : () -> ()
    %mul3A_35 = arith.constant 640 : i32
    %mul3A_36 = arith.muli %arg1, %mul3A_35 : i32
    %add3A_37 = arith.constant 512 : i32
    %add3A_38 = arith.addi %mul3A_36, %add3A_37 : i32
    "tpu.region"() ({
      %run_scoped3A = tpu.sem_alloc : memref<!tpu.dma_semaphore, #tpu.memory_space<semaphore_mem>>
      %dma_start3A = arith.constant 0 : i32
      %dma_start3A_54 = tpu.memref_slice %arg10[%add3A_38, %dma_start3A] : memref<10240x128xf32, #tpu.memory_space<vmem_shared>> -> memref<64x128xf32, #tpu.memory_space<vmem_shared>>
      %dma_start3A_55 = arith.constant 0 : i32
      %dma_start3A_56 = tpu.memref_slice %arg10[%add3A_38, %dma_start3A_55] : memref<10240x128xf32, #tpu.memory_space<vmem_shared>> -> memref<64x128xf32, #tpu.memory_space<vmem_shared>>
      tpu.enqueue_dma source(%arg9 : memref<64x128xf32, #tpu.memory_space<vmem>>) target(%dma_start3A_56 : memref<64x128xf32, #tpu.memory_space<vmem_shared>>) target_semaphore(%run_scoped3A : memref<!tpu.dma_semaphore, #tpu.memory_space<semaphore_mem>>)
      %dma_wait3A = arith.constant 0 : i32
      %dma_wait3A_57 = tpu.memref_slice %arg10[%add3A_38, %dma_wait3A] : memref<10240x128xf32, #tpu.memory_space<vmem_shared>> -> memref<64x128xf32, #tpu.memory_space<vmem_shared>>
      %dma_wait3A_58 = arith.constant 0 : i32
      %dma_wait3A_59 = tpu.memref_slice %arg10[%add3A_38, %dma_wait3A_58] : memref<10240x128xf32, #tpu.memory_space<vmem_shared>> -> memref<64x128xf32, #tpu.memory_space<vmem_shared>>
      tpu.wait_dma2 semaphore(%run_scoped3A : memref<!tpu.dma_semaphore, #tpu.memory_space<semaphore_mem>>) src(%arg9 : memref<64x128xf32, #tpu.memory_space<vmem>>) dst(%dma_wait3A_59 : memref<64x128xf32, #tpu.memory_space<vmem_shared>>)
      tpu.yield
    }) : () -> ()
    %mul3A_39 = arith.constant 640 : i32
    %mul3A_40 = arith.muli %arg1, %mul3A_39 : i32
    %add3A_41 = arith.constant 576 : i32
    %add3A_42 = arith.addi %mul3A_40, %add3A_41 : i32
    "tpu.region"() ({
      %run_scoped3A = tpu.sem_alloc : memref<!tpu.dma_semaphore, #tpu.memory_space<semaphore_mem>>
      %dma_start3A = arith.constant 0 : i32
      %dma_start3A_54 = tpu.memref_slice %arg10[%add3A_42, %dma_start3A] : memref<10240x128xf32, #tpu.memory_space<vmem_shared>> -> memref<64x128xf32, #tpu.memory_space<vmem_shared>>
      %dma_start3A_55 = arith.constant 0 : i32
      %dma_start3A_56 = tpu.memref_slice %arg10[%add3A_42, %dma_start3A_55] : memref<10240x128xf32, #tpu.memory_space<vmem_shared>> -> memref<64x128xf32, #tpu.memory_space<vmem_shared>>
      tpu.enqueue_dma source(%arg9 : memref<64x128xf32, #tpu.memory_space<vmem>>) target(%dma_start3A_56 : memref<64x128xf32, #tpu.memory_space<vmem_shared>>) target_semaphore(%run_scoped3A : memref<!tpu.dma_semaphore, #tpu.memory_space<semaphore_mem>>)
      %dma_wait3A = arith.constant 0 : i32
      %dma_wait3A_57 = tpu.memref_slice %arg10[%add3A_42, %dma_wait3A] : memref<10240x128xf32, #tpu.memory_space<vmem_shared>> -> memref<64x128xf32, #tpu.memory_space<vmem_shared>>
      %dma_wait3A_58 = arith.constant 0 : i32
      %dma_wait3A_59 = tpu.memref_slice %arg10[%add3A_42, %dma_wait3A_58] : memref<10240x128xf32, #tpu.memory_space<vmem_shared>> -> memref<64x128xf32, #tpu.memory_space<vmem_shared>>
      tpu.wait_dma2 semaphore(%run_scoped3A : memref<!tpu.dma_semaphore, #tpu.memory_space<semaphore_mem>>) src(%arg9 : memref<64x128xf32, #tpu.memory_space<vmem>>) dst(%dma_wait3A_59 : memref<64x128xf32, #tpu.memory_space<vmem_shared>>)
      tpu.yield
    }) : () -> ()
    %barrier3A = arith.constant 0 : index
    tpu.barrier barrier_id(%barrier3A)
    "tpu.region"() ({
      %run_scoped3A = tpu.sem_alloc : memref<!tpu.dma_semaphore, #tpu.memory_space<semaphore_mem>>
      %dma_start3A = arith.constant 0 : i32
      %dma_start3A_54 = arith.constant 0 : i32
      %dma_start3A_55 = tpu.memref_slice %arg3[%arg0, %arg1, %dma_start3A, %dma_start3A_54] : memref<2x16x79x128xi32, #tpu.memory_space<hbm>> -> memref<1x1x79x128xi32, #tpu.memory_space<hbm>>
      %dma_start3A_56 = tpu.memref_squeeze %dma_start3A_55 : memref<1x1x79x128xi32, #tpu.memory_space<hbm>> -> memref<79x128xi32, #tpu.memory_space<hbm>>
      %dma_start3A_57 = arith.constant 0 : i32
      %dma_start3A_58 = arith.constant 0 : i32
      %dma_start3A_59 = tpu.memref_slice %arg3[%arg0, %arg1, %dma_start3A_57, %dma_start3A_58] : memref<2x16x79x128xi32, #tpu.memory_space<hbm>> -> memref<1x1x79x128xi32, #tpu.memory_space<hbm>>
      %dma_start3A_60 = tpu.memref_squeeze %dma_start3A_59 : memref<1x1x79x128xi32, #tpu.memory_space<hbm>> -> memref<79x128xi32, #tpu.memory_space<hbm>>
      tpu.enqueue_dma source(%dma_start3A_60 : memref<79x128xi32, #tpu.memory_space<hbm>>) target(%arg6 : memref<79x128xi32, #tpu.memory_space<vmem>>) target_semaphore(%run_scoped3A : memref<!tpu.dma_semaphore, #tpu.memory_space<semaphore_mem>>)
      %dma_wait3A = arith.constant 0 : i32
      %dma_wait3A_61 = arith.constant 0 : i32
      %dma_wait3A_62 = tpu.memref_slice %arg3[%arg0, %arg1, %dma_wait3A, %dma_wait3A_61] : memref<2x16x79x128xi32, #tpu.memory_space<hbm>> -> memref<1x1x79x128xi32, #tpu.memory_space<hbm>>
      %dma_wait3A_63 = tpu.memref_squeeze %dma_wait3A_62 : memref<1x1x79x128xi32, #tpu.memory_space<hbm>> -> memref<79x128xi32, #tpu.memory_space<hbm>>
      %dma_wait3A_64 = arith.constant 0 : i32
      %dma_wait3A_65 = arith.constant 0 : i32
      %dma_wait3A_66 = tpu.memref_slice %arg3[%arg0, %arg1, %dma_wait3A_64, %dma_wait3A_65] : memref<2x16x79x128xi32, #tpu.memory_space<hbm>> -> memref<1x1x79x128xi32, #tpu.memory_space<hbm>>
      %dma_wait3A_67 = tpu.memref_squeeze %dma_wait3A_66 : memref<1x1x79x128xi32, #tpu.memory_space<hbm>> -> memref<79x128xi32, #tpu.memory_space<hbm>>
      tpu.wait_dma2 semaphore(%run_scoped3A : memref<!tpu.dma_semaphore, #tpu.memory_space<semaphore_mem>>) src(%dma_wait3A_67 : memref<79x128xi32, #tpu.memory_space<hbm>>) dst(%arg6 : memref<79x128xi32, #tpu.memory_space<vmem>>)
      tpu.yield
    }) : () -> ()
    "tpu.region"() ({
      %run_scoped3A = tpu.sem_alloc : memref<!tpu.dma_semaphore, #tpu.memory_space<semaphore_mem>>
      %dma_start3A = arith.constant 0 : i32
      %dma_start3A_54 = arith.constant 0 : i32
      %dma_start3A_55 = tpu.memref_slice %arg4[%arg1, %dma_start3A, %dma_start3A_54] : memref<16x79x128xi32, #tpu.memory_space<hbm>> -> memref<1x79x128xi32, #tpu.memory_space<hbm>>
      %dma_start3A_56 = tpu.memref_squeeze %dma_start3A_55 : memref<1x79x128xi32, #tpu.memory_space<hbm>> -> memref<79x128xi32, #tpu.memory_space<hbm>>
      %dma_start3A_57 = arith.constant 0 : i32
      %dma_start3A_58 = arith.constant 0 : i32
      %dma_start3A_59 = tpu.memref_slice %arg4[%arg1, %dma_start3A_57, %dma_start3A_58] : memref<16x79x128xi32, #tpu.memory_space<hbm>> -> memref<1x79x128xi32, #tpu.memory_space<hbm>>
      %dma_start3A_60 = tpu.memref_squeeze %dma_start3A_59 : memref<1x79x128xi32, #tpu.memory_space<hbm>> -> memref<79x128xi32, #tpu.memory_space<hbm>>
      tpu.enqueue_dma source(%dma_start3A_60 : memref<79x128xi32, #tpu.memory_space<hbm>>) target(%arg7 : memref<79x128xi32, #tpu.memory_space<vmem>>) target_semaphore(%run_scoped3A : memref<!tpu.dma_semaphore, #tpu.memory_space<semaphore_mem>>)
      %dma_wait3A = arith.constant 0 : i32
      %dma_wait3A_61 = arith.constant 0 : i32
      %dma_wait3A_62 = tpu.memref_slice %arg4[%arg1, %dma_wait3A, %dma_wait3A_61] : memref<16x79x128xi32, #tpu.memory_space<hbm>> -> memref<1x79x128xi32, #tpu.memory_space<hbm>>
      %dma_wait3A_63 = tpu.memref_squeeze %dma_wait3A_62 : memref<1x79x128xi32, #tpu.memory_space<hbm>> -> memref<79x128xi32, #tpu.memory_space<hbm>>
      %dma_wait3A_64 = arith.constant 0 : i32
      %dma_wait3A_65 = arith.constant 0 : i32
      %dma_wait3A_66 = tpu.memref_slice %arg4[%arg1, %dma_wait3A_64, %dma_wait3A_65] : memref<16x79x128xi32, #tpu.memory_space<hbm>> -> memref<1x79x128xi32, #tpu.memory_space<hbm>>
      %dma_wait3A_67 = tpu.memref_squeeze %dma_wait3A_66 : memref<1x79x128xi32, #tpu.memory_space<hbm>> -> memref<79x128xi32, #tpu.memory_space<hbm>>
      tpu.wait_dma2 semaphore(%run_scoped3A : memref<!tpu.dma_semaphore, #tpu.memory_space<semaphore_mem>>) src(%dma_wait3A_67 : memref<79x128xi32, #tpu.memory_space<hbm>>) dst(%arg7 : memref<79x128xi32, #tpu.memory_space<vmem>>)
      tpu.yield
    }) : () -> ()
    %scan3A_43 = arith.constant 0 : i32
    %scan3A_44 = arith.constant 0 : i32
    %scan3A_45 = arith.constant 79 : i32
    %scan3A_46 = arith.addi %scan3A_44, %scan3A_45 : i32
    %scan3A_47 = arith.constant 1 : i32
    scf.for %scan3A_54 = %scan3A_44 to %scan3A_46 step %scan3A_47  : i32 {
      %dma_start3A = arith.constant 0 : i32
      %dma_start3A_55 = tpu.memref_slice %arg6[%scan3A_54, %dma_start3A] : memref<79x128xi32, #tpu.memory_space<vmem>> -> memref<1x128xi32, #tpu.memory_space<vmem>>
      %dma_start3A_56 = tpu.memref_squeeze %dma_start3A_55 : memref<1x128xi32, #tpu.memory_space<vmem>> -> memref<128xi32, #tpu.memory_space<vmem>>
      %dma_start3A_57 = arith.constant 0 : i32
      %dma_start3A_58 = arith.constant 0 : i32
      %dma_start3A_59 = tpu.memref_slice %arg2[%dma_start3A_57, %dma_start3A_58] : memref<20000x128xf32, #tpu.memory_space<hbm>> -> memref<20000x128xf32, #tpu.memory_space<hbm>>
      tpu.enqueue_indirect_dma source(%dma_start3A_59 : memref<20000x128xf32, #tpu.memory_space<hbm>>) target(%arg8 : memref<128x128xf32, #tpu.memory_space<vmem>>) offsets(%dma_start3A_56 : memref<128xi32, #tpu.memory_space<vmem>>) semaphore(%arg11 : memref<!tpu.dma_semaphore, #tpu.memory_space<semaphore_mem>>)
      %dma_wait3A = arith.constant 0 : i32
      %dma_wait3A_60 = tpu.memref_slice %arg6[%scan3A_54, %dma_wait3A] : memref<79x128xi32, #tpu.memory_space<vmem>> -> memref<1x128xi32, #tpu.memory_space<vmem>>
      %dma_wait3A_61 = tpu.memref_squeeze %dma_wait3A_60 : memref<1x128xi32, #tpu.memory_space<vmem>> -> memref<128xi32, #tpu.memory_space<vmem>>
      %dma_wait3A_62 = arith.constant 0 : i32
      %dma_wait3A_63 = arith.constant 0 : i32
      %dma_wait3A_64 = tpu.memref_slice %arg2[%dma_wait3A_62, %dma_wait3A_63] : memref<20000x128xf32, #tpu.memory_space<hbm>> -> memref<20000x128xf32, #tpu.memory_space<hbm>>
      tpu.wait_indirect_dma semaphore(%arg11 : memref<!tpu.dma_semaphore, #tpu.memory_space<semaphore_mem>>) src(%dma_wait3A_64 : memref<20000x128xf32, #tpu.memory_space<hbm>>) dst(%arg8 : memref<128x128xf32, #tpu.memory_space<vmem>>)
      "tpu.region"() ({
        %run_scoped3A = tpu.sem_alloc : memref<!tpu.dma_semaphore, #tpu.memory_space<semaphore_mem>>
        %dma_start3A_65 = arith.constant 0 : i32
        %dma_start3A_66 = tpu.memref_slice %arg7[%scan3A_54, %dma_start3A_65] : memref<79x128xi32, #tpu.memory_space<vmem>> -> memref<1x128xi32, #tpu.memory_space<vmem>>
        %dma_start3A_67 = tpu.memref_squeeze %dma_start3A_66 : memref<1x128xi32, #tpu.memory_space<vmem>> -> memref<128xi32, #tpu.memory_space<vmem>>
        %dma_start3A_68 = arith.constant 0 : i32
        %dma_start3A_69 = arith.constant 0 : i32
        %dma_start3A_70 = tpu.memref_slice %arg10[%dma_start3A_68, %dma_start3A_69] : memref<10240x128xf32, #tpu.memory_space<vmem_shared>> -> memref<10240x128xf32, #tpu.memory_space<vmem_shared>>
        tpu.enqueue_indirect_dma source(%arg8 : memref<128x128xf32, #tpu.memory_space<vmem>>) target(%dma_start3A_70 : memref<10240x128xf32, #tpu.memory_space<vmem_shared>>) offsets(%dma_start3A_67 : memref<128xi32, #tpu.memory_space<vmem>>) semaphore(%run_scoped3A : memref<!tpu.dma_semaphore, #tpu.memory_space<semaphore_mem>>) {add = true}
        %dma_wait3A_71 = arith.constant 0 : i32
        %dma_wait3A_72 = tpu.memref_slice %arg7[%scan3A_54, %dma_wait3A_71] : memref<79x128xi32, #tpu.memory_space<vmem>> -> memref<1x128xi32, #tpu.memory_space<vmem>>
        %dma_wait3A_73 = tpu.memref_squeeze %dma_wait3A_72 : memref<1x128xi32, #tpu.memory_space<vmem>> -> memref<128xi32, #tpu.memory_space<vmem>>
        %dma_wait3A_74 = arith.constant 0 : i32
        %dma_wait3A_75 = arith.constant 0 : i32
        %dma_wait3A_76 = tpu.memref_slice %arg10[%dma_wait3A_74, %dma_wait3A_75] : memref<10240x128xf32, #tpu.memory_space<vmem_shared>> -> memref<10240x128xf32, #tpu.memory_space<vmem_shared>>
        tpu.wait_indirect_dma semaphore(%run_scoped3A : memref<!tpu.dma_semaphore, #tpu.memory_space<semaphore_mem>>) src(%arg8 : memref<128x128xf32, #tpu.memory_space<vmem>>) dst(%dma_wait3A_76 : memref<10240x128xf32, #tpu.memory_space<vmem_shared>>)
        tpu.yield
      }) : () -> ()
    }
    %scan3A_48 = arith.constant 79 : i32
    %barrier3A_49 = arith.constant 0 : index
    tpu.barrier barrier_id(%barrier3A_49)
    %mul3A_50 = arith.constant 640 : i32
    %mul3A_51 = arith.muli %arg1, %mul3A_50 : i32
    %mul3A_52 = arith.constant 640 : i32
    %mul3A_53 = arith.muli %arg1, %mul3A_52 : i32
    "tpu.region"() ({
      %run_scoped3A = tpu.sem_alloc : memref<!tpu.dma_semaphore, #tpu.memory_space<semaphore_mem>>
      %dma_start3A = arith.constant 0 : i32
      %dma_start3A_54 = tpu.memref_slice %arg5[%arg0, %mul3A_53, %dma_start3A] : memref<2x10240x128xf32, #tpu.memory_space<hbm>> -> memref<1x640x128xf32, #tpu.memory_space<hbm>>
      %dma_start3A_55 = tpu.memref_squeeze %dma_start3A_54 : memref<1x640x128xf32, #tpu.memory_space<hbm>> -> memref<640x128xf32, #tpu.memory_space<hbm>>
      %dma_start3A_56 = arith.constant 0 : i32
      %dma_start3A_57 = tpu.memref_slice %arg10[%mul3A_51, %dma_start3A_56] : memref<10240x128xf32, #tpu.memory_space<vmem_shared>> -> memref<640x128xf32, #tpu.memory_space<vmem_shared>>
      tpu.enqueue_dma source(%dma_start3A_57 : memref<640x128xf32, #tpu.memory_space<vmem_shared>>) target(%dma_start3A_55 : memref<640x128xf32, #tpu.memory_space<hbm>>) target_semaphore(%run_scoped3A : memref<!tpu.dma_semaphore, #tpu.memory_space<semaphore_mem>>)
      %dma_wait3A = arith.constant 0 : i32
      %dma_wait3A_58 = tpu.memref_slice %arg5[%arg0, %mul3A_53, %dma_wait3A] : memref<2x10240x128xf32, #tpu.memory_space<hbm>> -> memref<1x640x128xf32, #tpu.memory_space<hbm>>
      %dma_wait3A_59 = tpu.memref_squeeze %dma_wait3A_58 : memref<1x640x128xf32, #tpu.memory_space<hbm>> -> memref<640x128xf32, #tpu.memory_space<hbm>>
      %dma_wait3A_60 = arith.constant 0 : i32
      %dma_wait3A_61 = tpu.memref_slice %arg10[%mul3A_51, %dma_wait3A_60] : memref<10240x128xf32, #tpu.memory_space<vmem_shared>> -> memref<640x128xf32, #tpu.memory_space<vmem_shared>>
      tpu.wait_dma2 semaphore(%run_scoped3A : memref<!tpu.dma_semaphore, #tpu.memory_space<semaphore_mem>>) src(%dma_wait3A_61 : memref<640x128xf32, #tpu.memory_space<vmem_shared>>) dst(%dma_wait3A_59 : memref<640x128xf32, #tpu.memory_space<hbm>>)
      tpu.yield
    }) : () -> ()
    return
  }
}

module attributes {stable_mosaic.version = 14 : i64} {
  func.func @_tc_body(%arg0: i32, %arg1: memref<1000x256xf32, #tpu.memory_space<vmem>>, %arg2: memref<1x1000x128xf32, #tpu.memory_space<vmem>>, %arg3: memref<1x1000x128xf32, #tpu.memory_space<vmem>>, %arg4: memref<1x1x1000xi32, #tpu.memory_space<vmem>>, %arg5: memref<512x1024xbf16, #tpu.memory_space<vmem>>, %arg6: memref<8x1024xf32, #tpu.memory_space<vmem>>, %arg7: memref<256x128xf32, #tpu.memory_space<vmem>>, %arg8: memref<8x128xf32, #tpu.memory_space<vmem>>, %arg9: memref<128x128xf32, #tpu.memory_space<vmem>>, %arg10: memref<8x128xf32, #tpu.memory_space<vmem>>, %arg11: memref<512x256xf32, #tpu.memory_space<vmem>>, %arg12: memref<8x256xf32, #tpu.memory_space<vmem>>, %arg13: memref<512x256xf32, #tpu.memory_space<vmem>>, %arg14: memref<8x256xf32, #tpu.memory_space<vmem>>, %arg15: memref<128x256xf32, #tpu.memory_space<vmem>>, %arg16: memref<128x1408xf32, #tpu.memory_space<vmem>>) attributes {dimension_semantics = [#tpu.dimension_semantics<arbitrary>], iteration_bounds = array<i64: 10>, scalar_prefetch = 0 : i64, scratch_operands = 1 : i64, tpu.core_type = #tpu.core_type<tc>, window_params = [{transform_indices = @transform_0, window_bounds = array<i64: 1000, 256>}, {transform_indices = @transform_1, window_bounds = array<i64: 1, 1000, 128>}, {transform_indices = @transform_2, window_bounds = array<i64: 1, 1000, 128>}, {transform_indices = @transform_3, window_bounds = array<i64: 1, 1, 1000>}, {pipeline_mode = #tpu.pipeline_mode<synchronous>, transform_indices = @transform_4, window_bounds = array<i64: 512, 1024>}, {pipeline_mode = #tpu.pipeline_mode<synchronous>, transform_indices = @transform_5, window_bounds = array<i64: 8, 1024>}, {pipeline_mode = #tpu.pipeline_mode<synchronous>, transform_indices = @transform_6, window_bounds = array<i64: 256, 128>}, {pipeline_mode = #tpu.pipeline_mode<synchronous>, transform_indices = @transform_7, window_bounds = array<i64: 8, 128>}, {pipeline_mode = #tpu.pipeline_mode<synchronous>, transform_indices = @transform_8, window_bounds = array<i64: 128, 128>}, {pipeline_mode = #tpu.pipeline_mode<synchronous>, transform_indices = @transform_9, window_bounds = array<i64: 8, 128>}, {pipeline_mode = #tpu.pipeline_mode<synchronous>, transform_indices = @transform_10, window_bounds = array<i64: 512, 256>}, {pipeline_mode = #tpu.pipeline_mode<synchronous>, transform_indices = @transform_11, window_bounds = array<i64: 8, 256>}, {pipeline_mode = #tpu.pipeline_mode<synchronous>, transform_indices = @transform_12, window_bounds = array<i64: 512, 256>}, {pipeline_mode = #tpu.pipeline_mode<synchronous>, transform_indices = @transform_13, window_bounds = array<i64: 8, 256>}, {pipeline_mode = #tpu.pipeline_mode<synchronous>, transform_indices = @transform_14, window_bounds = array<i64: 128, 256>}]} {
    %eq3A = arith.constant 0 : i32
    %eq3A_0 = arith.cmpi eq, %arg0, %eq3A : i32
    %convert_element_type3A = arith.extui %eq3A_0 : i1 to i32
    %cond3A = arith.constant 0 : i32
    %cond3A_1 = arith.cmpi ne, %convert_element_type3A, %cond3A : i32
    scf.if %cond3A_1 {
      %broadcast_in_dim3A_53 = arith.constant 0.000000e+00 : f32
      %broadcast_in_dim3A_54 = vector.broadcast %broadcast_in_dim3A_53 : f32 to vector<128x1408xf32>
      %swap3A_55 = arith.constant 0 : index
      %swap3A_56 = arith.constant 0 : index
      %swap3A_57 = vector.load %arg16[%swap3A_55, %swap3A_56] : memref<128x1408xf32, #tpu.memory_space<vmem>>, vector<128x1408xf32>
      tpu.vector_store %arg16[%swap3A_55, %swap3A_56], %broadcast_in_dim3A_54 {strides = array<i32>} : memref<128x1408xf32, #tpu.memory_space<vmem>>, vector<128x1408xf32>,
    } else {
    }
    %get3A = arith.constant 0 : index
    %get3A_2 = arith.constant 0 : index
    %get3A_3 = vector.load %arg1[%get3A, %get3A_2] : memref<1000x256xf32, #tpu.memory_space<vmem>>, vector<1000x256xf32>
    %get3A_4 = arith.constant 0 : index
    %get3A_5 = arith.constant 0 : index
    %get3A_6 = arith.constant 0 : index
    %get3A_7 = vector.load %arg2[%get3A_4, %get3A_5, %get3A_6] : memref<1x1000x128xf32, #tpu.memory_space<vmem>>, vector<1x1000x128xf32>
    %get3A_8 = vector.shape_cast %get3A_7 : vector<1x1000x128xf32> to vector<1000x128xf32>
    %get3A_9 = arith.constant 0 : index
    %get3A_10 = arith.constant 0 : index
    %get3A_11 = arith.constant 0 : index
    %get3A_12 = vector.load %arg3[%get3A_9, %get3A_10, %get3A_11] : memref<1x1000x128xf32, #tpu.memory_space<vmem>>, vector<1x1000x128xf32>
    %get3A_13 = vector.shape_cast %get3A_12 : vector<1x1000x128xf32> to vector<1000x128xf32>
    %concatenate3A = tpu.concatenate %get3A_3, %get3A_8, %get3A_13 in 1 : vector<1000x256xf32>, vector<1000x128xf32>, vector<1000x128xf32> -> vector<1000x512xf32>
    %convert_element_type3A_14 = arith.truncf %concatenate3A : vector<1000x512xf32> to vector<1000x512xbf16>
    %get3A_15 = arith.constant 0 : index
    %get3A_16 = arith.constant 0 : index
    %get3A_17 = vector.load %arg5[%get3A_15, %get3A_16] : memref<512x1024xbf16, #tpu.memory_space<vmem>>, vector<512x1024xbf16>
    %dot_general3A = arith.constant dense<0.000000e+00> : vector<1000x1024xf32>
    %dot_general3A_18 = tpu.matmul %convert_element_type3A_14, %get3A_17, %dot_general3A {dimension_numbers = #tpu.dot_dimension_numbers<[1], [0], [0], [1], [0, 0, 1, 1], [], []>, transpose_lhs_hint = false} : vector<1000x512xbf16>, vector<512x1024xbf16>, vector<1000x1024xf32> -> vector<1000x1024xf32>
    %get3A_19 = arith.constant 0 : index
    %get3A_20 = arith.constant 0 : index
    %get3A_21 = vector.load %arg6[%get3A_19, %get3A_20] : memref<8x1024xf32, #tpu.memory_space<vmem>>, vector<1x1024xf32>
    %add3A = vector.broadcast %get3A_21 : vector<1x1024xf32> to vector<1000x1024xf32>
    %add3A_22 = arith.addf %dot_general3A_18, %add3A : vector<1000x1024xf32>
    %max3A = arith.constant 0.000000e+00 : f32
    %max3A_23 = vector.broadcast %max3A : f32 to vector<1000x1024xf32>
    %max3A_24 = arith.maximumf %add3A_22, %max3A_23 : vector<1000x1024xf32>
    %get3A_25 = arith.constant 0 : index
    %get3A_26 = arith.constant 0 : index
    %get3A_27 = arith.constant 0 : index
    %get3A_28 = vector.load %arg4[%get3A_25, %get3A_26, %get3A_27] : memref<1x1x1000xi32, #tpu.memory_space<vmem>>, vector<1x1x1000xi32>
    %get3A_29 = vector.shape_cast %get3A_28 : vector<1x1x1000xi32> to vector<1x1000xi32>
    %iota3A = tpu.iota {dimensions = array<i32: 0>} : vector<128x1000xi32>
    %eq3A_30 = vector.broadcast %get3A_29 : vector<1x1000xi32> to vector<128x1000xi32>
    %eq3A_31 = arith.cmpi eq, %iota3A, %eq3A_30 : vector<128x1000xi32>
    %jit3A = arith.constant 1.000000e+00 : f32
    %jit3A_32 = arith.constant 0.000000e+00 : f32
    %broadcast_in_dim3A = vector.broadcast %jit3A : f32 to vector<128x1000xf32>
    %broadcast_in_dim3A_33 = vector.broadcast %jit3A_32 : f32 to vector<128x1000xf32>
    %select_n3A = arith.select %eq3A_31, %broadcast_in_dim3A, %broadcast_in_dim3A_33 : vector<128x1000xi1>, vector<128x1000xf32>
    %convert_element_type3A_34 = arith.truncf %select_n3A : vector<128x1000xf32> to vector<128x1000xbf16>
    %convert_element_type3A_35 = arith.truncf %get3A_3 : vector<1000x256xf32> to vector<1000x256xbf16>
    %convert_element_type3A_36 = arith.truncf %max3A_24 : vector<1000x1024xf32> to vector<1000x1024xbf16>
    %broadcast_in_dim3A_37 = arith.constant 1.000000e+00 : bf16
    %broadcast_in_dim3A_38 = vector.broadcast %broadcast_in_dim3A_37 : bf16 to vector<1000x128xbf16>
    %concatenate3A_39 = tpu.concatenate %convert_element_type3A_35, %convert_element_type3A_36, %broadcast_in_dim3A_38 in 1 : vector<1000x256xbf16>, vector<1000x1024xbf16>, vector<1000x128xbf16> -> vector<1000x1408xbf16>
    %get3A_40 = arith.constant 0 : index
    %get3A_41 = arith.constant 0 : index
    %get3A_42 = vector.load %arg16[%get3A_40, %get3A_41] : memref<128x1408xf32, #tpu.memory_space<vmem>>, vector<128x1408xf32>
    %dot_general3A_43 = arith.constant dense<0.000000e+00> : vector<128x1408xf32>
    %dot_general3A_44 = tpu.matmul %convert_element_type3A_34, %concatenate3A_39, %dot_general3A_43 {dimension_numbers = #tpu.dot_dimension_numbers<[1], [0], [0], [1], [0, 0, 1, 1], [], []>, transpose_lhs_hint = false} : vector<128x1000xbf16>, vector<1000x1408xbf16>, vector<128x1408xf32> -> vector<128x1408xf32>
    %add3A_45 = arith.addf %get3A_42, %dot_general3A_44 : vector<128x1408xf32>
    %swap3A = arith.constant 0 : index
    %swap3A_46 = arith.constant 0 : index
    %swap3A_47 = vector.load %arg16[%swap3A, %swap3A_46] : memref<128x1408xf32, #tpu.memory_space<vmem>>, vector<128x1408xf32>
    tpu.vector_store %arg16[%swap3A, %swap3A_46], %add3A_45 {strides = array<i32>} : memref<128x1408xf32, #tpu.memory_space<vmem>>, vector<128x1408xf32>,
    %eq3A_48 = arith.constant 9 : i32
    %eq3A_49 = arith.cmpi eq, %arg0, %eq3A_48 : i32
    %convert_element_type3A_50 = arith.extui %eq3A_49 : i1 to i32
    %cond3A_51 = arith.constant 0 : i32
    %cond3A_52 = arith.cmpi ne, %convert_element_type3A_50, %cond3A_51 : i32
    scf.if %cond3A_52 {
      %get3A_53 = arith.constant 0 : index
      %get3A_54 = arith.constant 0 : index
      %get3A_55 = vector.load %arg16[%get3A_53, %get3A_54] : memref<128x1408xf32, #tpu.memory_space<vmem>>, vector<128x1408xf32>
      %slice3A = vector.extract_strided_slice %get3A_55 {offsets = [0, 1280], sizes = [128, 1], strides = [1, 1]} : vector<128x1408xf32> to vector<128x1xf32>
      %max3A_56 = arith.constant 1.000000e+00 : f32
      %max3A_57 = vector.broadcast %max3A_56 : f32 to vector<128x1xf32>
      %max3A_58 = arith.maximumf %slice3A, %max3A_57 : vector<128x1xf32>
      %slice3A_59 = vector.extract_strided_slice %get3A_55 {offsets = [0, 0], sizes = [128, 256], strides = [1, 1]} : vector<128x1408xf32> to vector<128x256xf32>
      %div3A = vector.broadcast %max3A_58 : vector<128x1xf32> to vector<128x256xf32>
      %div3A_60 = arith.divf %slice3A_59, %div3A : vector<128x256xf32>
      %slice3A_61 = vector.extract_strided_slice %get3A_55 {offsets = [0, 256], sizes = [128, 1024], strides = [1, 1]} : vector<128x1408xf32> to vector<128x1024xf32>
      %div3A_62 = vector.broadcast %max3A_58 : vector<128x1xf32> to vector<128x1024xf32>
      %div3A_63 = arith.divf %slice3A_61, %div3A_62 : vector<128x1024xf32>
      %get3A_64 = arith.constant 0 : index
      %get3A_65 = arith.constant 0 : index
      %get3A_66 = vector.load %arg7[%get3A_64, %get3A_65] : memref<256x128xf32, #tpu.memory_space<vmem>>, vector<256x128xf32>
      %dot_general3A_67 = arith.constant dense<0.000000e+00> : vector<128x128xf32>
      %dot_general3A_68 = tpu.matmul %div3A_60, %get3A_66, %dot_general3A_67 {dimension_numbers = #tpu.dot_dimension_numbers<[1], [0], [0], [1], [0, 0, 1, 1], [], []>, transpose_lhs_hint = false} : vector<128x256xf32>, vector<256x128xf32>, vector<128x128xf32> -> vector<128x128xf32>
      %get3A_69 = arith.constant 0 : index
      %get3A_70 = arith.constant 0 : index
      %get3A_71 = vector.load %arg8[%get3A_69, %get3A_70] : memref<8x128xf32, #tpu.memory_space<vmem>>, vector<1x128xf32>
      %add3A_72 = vector.broadcast %get3A_71 : vector<1x128xf32> to vector<128x128xf32>
      %add3A_73 = arith.addf %dot_general3A_68, %add3A_72 : vector<128x128xf32>
      %max3A_74 = arith.constant 0.000000e+00 : f32
      %max3A_75 = vector.broadcast %max3A_74 : f32 to vector<128x128xf32>
      %max3A_76 = arith.maximumf %add3A_73, %max3A_75 : vector<128x128xf32>
      %get3A_77 = arith.constant 0 : index
      %get3A_78 = arith.constant 0 : index
      %get3A_79 = vector.load %arg9[%get3A_77, %get3A_78] : memref<128x128xf32, #tpu.memory_space<vmem>>, vector<128x128xf32>
      %dot_general3A_80 = arith.constant dense<0.000000e+00> : vector<128x128xf32>
      %dot_general3A_81 = tpu.matmul %max3A_76, %get3A_79, %dot_general3A_80 {dimension_numbers = #tpu.dot_dimension_numbers<[1], [0], [0], [1], [0, 0, 1, 1], [], []>, transpose_lhs_hint = false} : vector<128x128xf32>, vector<128x128xf32>, vector<128x128xf32> -> vector<128x128xf32>
      %get3A_82 = arith.constant 0 : index
      %get3A_83 = arith.constant 0 : index
      %get3A_84 = vector.load %arg10[%get3A_82, %get3A_83] : memref<8x128xf32, #tpu.memory_space<vmem>>, vector<1x128xf32>
      %add3A_85 = vector.broadcast %get3A_84 : vector<1x128xf32> to vector<128x128xf32>
      %add3A_86 = arith.addf %dot_general3A_81, %add3A_85 : vector<128x128xf32>
      %slice3A_87 = vector.extract_strided_slice %add3A_86 {offsets = [0, 0], sizes = [128, 1], strides = [1, 1]} : vector<128x128xf32> to vector<128x1xf32>
      %slice3A_88 = vector.extract_strided_slice %add3A_86 {offsets = [0, 1], sizes = [128, 1], strides = [1, 1]} : vector<128x128xf32> to vector<128x1xf32>
      %max3A_89 = arith.maximumf %slice3A_87, %slice3A_88 : vector<128x1xf32>
      %sub3A = arith.subf %slice3A_87, %max3A_89 : vector<128x1xf32>
      %exp3A = math.exp %sub3A : vector<128x1xf32>
      %sub3A_90 = arith.subf %slice3A_88, %max3A_89 : vector<128x1xf32>
      %exp3A_91 = math.exp %sub3A_90 : vector<128x1xf32>
      %add3A_92 = arith.addf %exp3A, %exp3A_91 : vector<128x1xf32>
      %div3A_93 = arith.constant 1.000000e+00 : f32
      %div3A_94 = vector.broadcast %div3A_93 : f32 to vector<128x1xf32>
      %div3A_95 = arith.divf %div3A_94, %add3A_92 : vector<128x1xf32>
      %mul3A = arith.mulf %exp3A, %div3A_95 : vector<128x1xf32>
      %mul3A_96 = arith.mulf %exp3A_91, %div3A_95 : vector<128x1xf32>
      %slice3A_97 = vector.extract_strided_slice %div3A_63 {offsets = [0, 0], sizes = [128, 512], strides = [1, 1]} : vector<128x1024xf32> to vector<128x512xf32>
      %mul3A_98 = vector.broadcast %mul3A : vector<128x1xf32> to vector<128x512xf32>
      %mul3A_99 = arith.mulf %mul3A_98, %slice3A_97 : vector<128x512xf32>
      %get3A_100 = arith.constant 0 : index
      %get3A_101 = arith.constant 0 : index
      %get3A_102 = vector.load %arg11[%get3A_100, %get3A_101] : memref<512x256xf32, #tpu.memory_space<vmem>>, vector<512x256xf32>
      %dot_general3A_103 = arith.constant dense<0.000000e+00> : vector<128x256xf32>
      %dot_general3A_104 = tpu.matmul %mul3A_99, %get3A_102, %dot_general3A_103 {dimension_numbers = #tpu.dot_dimension_numbers<[1], [0], [0], [1], [0, 0, 1, 1], [], []>, transpose_lhs_hint = false} : vector<128x512xf32>, vector<512x256xf32>, vector<128x256xf32> -> vector<128x256xf32>
      %slice3A_105 = vector.extract_strided_slice %div3A_63 {offsets = [0, 512], sizes = [128, 512], strides = [1, 1]} : vector<128x1024xf32> to vector<128x512xf32>
      %mul3A_106 = vector.broadcast %mul3A_96 : vector<128x1xf32> to vector<128x512xf32>
      %mul3A_107 = arith.mulf %mul3A_106, %slice3A_105 : vector<128x512xf32>
      %get3A_108 = arith.constant 0 : index
      %get3A_109 = arith.constant 0 : index
      %get3A_110 = vector.load %arg13[%get3A_108, %get3A_109] : memref<512x256xf32, #tpu.memory_space<vmem>>, vector<512x256xf32>
      %dot_general3A_111 = arith.constant dense<0.000000e+00> : vector<128x256xf32>
      %dot_general3A_112 = tpu.matmul %mul3A_107, %get3A_110, %dot_general3A_111 {dimension_numbers = #tpu.dot_dimension_numbers<[1], [0], [0], [1], [0, 0, 1, 1], [], []>, transpose_lhs_hint = false} : vector<128x512xf32>, vector<512x256xf32>, vector<128x256xf32> -> vector<128x256xf32>
      %add3A_113 = arith.addf %dot_general3A_104, %dot_general3A_112 : vector<128x256xf32>
      %get3A_114 = arith.constant 0 : index
      %get3A_115 = arith.constant 0 : index
      %get3A_116 = vector.load %arg12[%get3A_114, %get3A_115] : memref<8x256xf32, #tpu.memory_space<vmem>>, vector<1x256xf32>
      %mul3A_117 = vector.broadcast %mul3A : vector<128x1xf32> to vector<128x256xf32>
      %mul3A_118 = vector.broadcast %get3A_116 : vector<1x256xf32> to vector<128x256xf32>
      %mul3A_119 = arith.mulf %mul3A_117, %mul3A_118 : vector<128x256xf32>
      %add3A_120 = arith.addf %add3A_113, %mul3A_119 : vector<128x256xf32>
      %get3A_121 = arith.constant 0 : index
      %get3A_122 = arith.constant 0 : index
      %get3A_123 = vector.load %arg14[%get3A_121, %get3A_122] : memref<8x256xf32, #tpu.memory_space<vmem>>, vector<1x256xf32>
      %mul3A_124 = vector.broadcast %mul3A_96 : vector<128x1xf32> to vector<128x256xf32>
      %mul3A_125 = vector.broadcast %get3A_123 : vector<1x256xf32> to vector<128x256xf32>
      %mul3A_126 = arith.mulf %mul3A_124, %mul3A_125 : vector<128x256xf32>
      %add3A_127 = arith.addf %add3A_120, %mul3A_126 : vector<128x256xf32>
      %swap3A_128 = arith.constant 0 : index
      %swap3A_129 = arith.constant 0 : index
      %swap3A_130 = vector.load %arg15[%swap3A_128, %swap3A_129] : memref<128x256xf32, #tpu.memory_space<vmem>>, vector<128x256xf32>
      tpu.vector_store %arg15[%swap3A_128, %swap3A_129], %add3A_127 {strides = array<i32>} : memref<128x256xf32, #tpu.memory_space<vmem>>, vector<128x256xf32>,
    } else {
    }
    return
  }
  func.func @transform_0(%arg0: i32) -> (i32, i32) {
    %c0_i32 = arith.constant 0 : i32
    %c0_i32_0 = arith.constant 0 : i32
    return %arg0, %c0_i32 : i32, i32
  }
  func.func @transform_1(%arg0: i32) -> (i32, i32, i32) {
    %c0_i32 = arith.constant 0 : i32
    %c0_i32_0 = arith.constant 0 : i32
    %c0_i32_1 = arith.constant 0 : i32
    return %c0_i32, %arg0, %c0_i32_0 : i32, i32, i32
  }
  func.func @transform_2(%arg0: i32) -> (i32, i32, i32) {
    %c1_i32 = arith.constant 1 : i32
    %c0_i32 = arith.constant 0 : i32
    %c0_i32_0 = arith.constant 0 : i32
    return %c1_i32, %arg0, %c0_i32 : i32, i32, i32
  }
  func.func @transform_3(%arg0: i32) -> (i32, i32, i32) {
    %c0_i32 = arith.constant 0 : i32
    %c0_i32_0 = arith.constant 0 : i32
    %c0_i32_1 = arith.constant 0 : i32
    return %arg0, %c0_i32, %c0_i32_0 : i32, i32, i32
  }
  func.func @transform_4(%arg0: i32) -> (i32, i32) {
    %c0_i32 = arith.constant 0 : i32
    %c0_i32_0 = arith.constant 0 : i32
    %c0_i32_1 = arith.constant 0 : i32
    return %c0_i32, %c0_i32_0 : i32, i32
  }
  func.func @transform_5(%arg0: i32) -> (i32, i32) {
    %c0_i32 = arith.constant 0 : i32
    %c0_i32_0 = arith.constant 0 : i32
    %c0_i32_1 = arith.constant 0 : i32
    return %c0_i32, %c0_i32_0 : i32, i32
  }
  func.func @transform_6(%arg0: i32) -> (i32, i32) {
    %c0_i32 = arith.constant 0 : i32
    %c0_i32_0 = arith.constant 0 : i32
    %c0_i32_1 = arith.constant 0 : i32
    return %c0_i32, %c0_i32_0 : i32, i32
  }
  func.func @transform_7(%arg0: i32) -> (i32, i32) {
    %c0_i32 = arith.constant 0 : i32
    %c0_i32_0 = arith.constant 0 : i32
    %c0_i32_1 = arith.constant 0 : i32
    return %c0_i32, %c0_i32_0 : i32, i32
  }
  func.func @transform_8(%arg0: i32) -> (i32, i32) {
    %c0_i32 = arith.constant 0 : i32
    %c0_i32_0 = arith.constant 0 : i32
    %c0_i32_1 = arith.constant 0 : i32
    return %c0_i32, %c0_i32_0 : i32, i32
  }
  func.func @transform_9(%arg0: i32) -> (i32, i32) {
    %c0_i32 = arith.constant 0 : i32
    %c0_i32_0 = arith.constant 0 : i32
    %c0_i32_1 = arith.constant 0 : i32
    return %c0_i32, %c0_i32_0 : i32, i32
  }
  func.func @transform_10(%arg0: i32) -> (i32, i32) {
    %c0_i32 = arith.constant 0 : i32
    %c0_i32_0 = arith.constant 0 : i32
    %c0_i32_1 = arith.constant 0 : i32
    return %c0_i32, %c0_i32_0 : i32, i32
  }
  func.func @transform_11(%arg0: i32) -> (i32, i32) {
    %c0_i32 = arith.constant 0 : i32
    %c0_i32_0 = arith.constant 0 : i32
    %c0_i32_1 = arith.constant 0 : i32
    return %c0_i32, %c0_i32_0 : i32, i32
  }
  func.func @transform_12(%arg0: i32) -> (i32, i32) {
    %c0_i32 = arith.constant 0 : i32
    %c0_i32_0 = arith.constant 0 : i32
    %c0_i32_1 = arith.constant 0 : i32
    return %c0_i32, %c0_i32_0 : i32, i32
  }
  func.func @transform_13(%arg0: i32) -> (i32, i32) {
    %c0_i32 = arith.constant 0 : i32
    %c0_i32_0 = arith.constant 0 : i32
    %c0_i32_1 = arith.constant 0 : i32
    return %c0_i32, %c0_i32_0 : i32, i32
  }
  func.func @transform_14(%arg0: i32) -> (i32, i32) {
    %c0_i32 = arith.constant 0 : i32
    %c0_i32_0 = arith.constant 0 : i32
    %c0_i32_1 = arith.constant 0 : i32
    return %c0_i32, %c0_i32_0 : i32, i32
  }
}

</mosaic_0001>

<sc_bundles>
// kernel: kernel.4.cloned.1.call-start
scs
__scs_entry_jumppad:
0x0: {  	(pc) =	sbr.rel $0x88, $3  }
0x1: {  	(tag) =	ssettag $0x0;
	lr =	simm.s32 $0x1  }
0x2: {  	[smem:$0x3F90] =	sst lr;
	_ =	strace $0xD0000000  }
0x3: {  	_ = 	snop  }
0x4: {  	_ = 	snop  }
0x5: {  	_ = 	snop  }
0x6: {  	_ = 	snop  }
0x7: {  	_ = 	snop  }
__scs_overlays_trampoline_lowered:
0x8: {  	[smem:$0x3F9F] =	sst s0  }
0x9: {  	[smem:$0x3FA0] =	sst s1  }
0xa: {  	[smem:$0x3FA1] =	sst s2  }
0xb: {  	[smem:$0x3FA2] =	sst s3  }
0xc: {  	[smem:$0x3FA3] =	sst s4  }
0xd: {  	[smem:$0x3FA4] =	sst s5  }
0xe: {  	[smem:$0x3FA5] =	sst s6  }
0xf: {  	[smem:$0x3FA6] =	sst s7  }
0x10: {  	[smem:$0x3FA7] =	sst s8  }
0x11: {  	[smem:$0x3FA8] =	sst s9;
	s0 =	simm.s32 @!p0 $0x0  }
0x12: {  	s1 =	sld [smem:$0x3F8E];
	s0 =	simm.s32 @p0 $0x1  }
0x13: {  	[smem:$0x3FA9] =	sst s0;
	s0 =	simm.s32 @!p1 $0x0  }
0x14: {  	s2 =	sld [smem:$0x3F8D];
	s0 =	simm.s32 @p1 $0x1  }
0x15: {  	[smem:$0x3FAA] =	sst s0;
	s0 =	simm.s32 @!p2 $0x0  }
0x16: {  	s3 =	sld [smem:$0x3FDB];
	s0 =	simm.s32 @p2 $0x1  }
0x17: {  	s4 =	simm.s32 $0x1BF5;
	[smem:$0x3FAC] =	sst s0  }
0x18: {  	s0 =	sld [smem:$0x3F8F];
	_ =	swait.ge [sflag:s4], $0x0  }
0x19: {  	s7 =	sld [smem:$0x3F90]  }
0x1a: {  	s8 =	sadd.s32 $0xFFFFE003, lr  }
0x1b: {  	s9 =	sadd.s32 $0xFFFFFEF7, lr;
	s5 =	simm.s32 $0xFFFFFFFF;
	p2 =	slt.u32 s8, $0xFFFFF086  }
0x1c: {  	p1 =	slt.u32 s9, $0xF7A;
	s5 =	simm.s32 @!p2 $0x0  }
0x1d: {  	s5 =	simm.s32 @p1 $0x1;
	p0 =	seq.s32 s7, s2  }
0x1e: {  	s7 =	smul.u32 @!p0 $0xF7A, s2;
	p2 =	seq.s32 @!p0 s5, $0x0  }
0x1f: {  	s9 =	smul.u32 $0xF7A, s1;
	s8 =	simm.s32 @!p0 $0x1BF5;
	p2 =	por !p2, p0  }
0x20: {  	[sflag:s8] =	ssyncset.s32 @!p0 $0xFFFFF086;
	s6 =	sadd.s32 @!p0 s3, s7;
	s7 =	simm.s32 @!p0 $0x108  }
0x21: {  	s3 =	sadd.s32 s3, s9;
	s6 =	sadd.s32 @!p0 $0x88, s6;
	s7 =	simm.s32 @p2 $0x1082  }
0x22: {  	[simem:s7], [sflag:s8] =	dma.local @!p0 [hbm:s6], $0xF7A  }
0x23: {  	s9 =	sor.u32 $0xD0000000, s2;
	s6 =	simm.s32 $0x108;
	_ =	swait.ge @!p0 [sflag:s8], $0x0  }
0x24: {  	s3 =	sadd.s32 $0x88, s3;
	s6 =	simm.s32 @!p1 $0x1082;
	[sflag:s4] =	ssyncset.s32 $0xFFFFF086  }
0x25: {  	[simem:s6], [sflag:s4] =	dma.local [hbm:s3], $0xF7A  }
0x26: {  	[smem:$0x3F90] =	sst s1;
	(tag) =	ssettag s2;
	_ =	strace s9  }
0x27: {  	s1 =	sld [smem:$0x3FA0]  }
0x28: {  	s2 =	sld [smem:$0x3FA1]  }
0x29: {  	s4 =	sld [smem:$0x3FA3]  }
0x2a: {  	p0 =	seq.s32 s5, $0x0;
	s5 =	sld [smem:$0x3FA4]  }
0x2b: {  	s6 =	sld [smem:$0x3FA5]  }
0x2c: {  	s7 =	sld [smem:$0x3FA6]  }
0x2d: {  	s3 =	simm.s32 $0x108;
	s8 =	sld [smem:$0x3FA7]  }
0x2e: {  	s3 =	simm.s32 @!p0 $0x1082;
	s9 =	sld [smem:$0x3FA8]  }
0x2f: {  	lr =	sadd.s32 s0, s3;
	s0 =	sld [smem:$0x3F9F]  }
0x30: {  	s3 =	sld [smem:$0x3FA2]  }
0x31: {  	[smem:$0x3FAB] =	sst s10  }
0x32: {  	s10 =	sld [smem:$0x3FA9];
	_ =	sdelay $0x3  }
0x33: {  	p0 =	seq.s32 s10, $0x1;
	s10 =	sld [smem:$0x3FAB];
	_ =	sdelay $0x3  }
0x34: {  	[smem:$0x3FAB] =	sst s10  }
0x35: {  	s10 =	sld [smem:$0x3FAA];
	_ =	sdelay $0x3  }
0x36: {  	p1 =	seq.s32 s10, $0x1;
	s10 =	sld [smem:$0x3FAB];
	_ =	sdelay $0x3  }
0x37: {  	[smem:$0x3FAB] =	sst s10  }
0x38: {  	s10 =	sld [smem:$0x3FAC]  }
0x39: {  	_ = 	snop;
	(pc) =	sbr.ind lr, $3  }
0x3a: {  	_ = 	snop  }
0x3b: {  	_ = 	snop  }
0x3c: {  	p2 =	seq.s32 s10, $0x1;
	s10 =	sld [smem:$0x3FAB]  }
0x3d: {  	_ =	shalt  }
0x3e: {  	_ =	shalt  }
0x3f: {  	_ =	shalt  }
0x40: {  	_ =	shalt  }
0x41: {  	_ =	shalt  }
0x42: {  	_ =	shalt  }
0x43: {  	_ =	shalt  }
0x44: {  	_ =	shalt  }
0x45: {  	_ =	shalt  }
0x46: {  	_ =	shalt  }
0x47: {  	_ =	shalt  }
0x48: {  	_ =	shalt  }
0x49: {  	_ =	shalt  }
0x4a: {  	_ =	shalt  }
0x4b: {  	_ =	shalt  }
0x4c: {  	_ =	shalt  }
0x4d: {  	_ =	shalt  }
0x4e: {  	_ =	shalt  }
0x4f: {  	_ =	shalt  }
0x50: {  	_ =	shalt  }
0x51: {  	_ =	shalt  }
0x52: {  	_ =	shalt  }
0x53: {  	_ =	shalt  }
0x54: {  	_ =	shalt  }
0x55: {  	_ =	shalt  }
0x56: {  	_ =	shalt  }
0x57: {  	_ =	shalt  }
0x58: {  	_ =	shalt  }
0x59: {  	_ =	shalt  }
0x5a: {  	_ =	shalt  }
0x5b: {  	_ =	shalt  }
0x5c: {  	_ =	shalt  }
0x5d: {  	_ =	shalt  }
0x5e: {  	_ =	shalt  }
0x5f: {  	_ =	shalt  }
0x60: {  	_ =	shalt  }
0x61: {  	_ =	shalt  }
0x62: {  	_ =	shalt  }
0x63: {  	_ =	shalt  }
0x64: {  	_ =	shalt  }
0x65: {  	_ =	shalt  }
0x66: {  	_ =	shalt  }
0x67: {  	_ =	shalt  }
0x68: {  	_ =	shalt  }
0x69: {  	_ =	shalt  }
0x6a: {  	_ =	shalt  }
0x6b: {  	_ =	shalt  }
0x6c: {  	_ =	shalt  }
0x6d: {  	_ =	shalt  }
0x6e: {  	_ =	shalt  }
0x6f: {  	_ =	shalt  }
0x70: {  	_ =	shalt  }
0x71: {  	_ =	shalt  }
0x72: {  	_ =	shalt  }
0x73: {  	_ =	shalt  }
0x74: {  	_ =	shalt  }
0x75: {  	_ =	shalt  }
0x76: {  	_ =	shalt  }
0x77: {  	_ =	shalt  }
0x78: {  	_ =	shalt  }
0x79: {  	_ =	shalt  }
0x7a: {  	_ =	shalt  }
0x7b: {  	_ =	shalt  }
0x7c: {  	_ =	shalt  }
0x7d: {  	_ =	shalt  }
0x7e: {  	_ =	shalt  }
0x7f: {  	_ =	shalt  }
0x80: {  	_ =	shalt  }
0x81: {  	_ =	shalt  }
0x82: {  	_ =	shalt  }
0x83: {  	_ =	shalt  }
0x84: {  	_ =	shalt  }
0x85: {  	_ =	shalt  }
0x86: {  	_ =	shalt  }
0x87: {  	_ =	shalt  }
.Lfunc_end0:
.L_simem_size_0:
called_computation_lowered:
.L_overlay_start_0:
0x88: {  	s2 =	sld [smem:$0x3FD9]  }
0x89: {  	s3 =	sld [smem:$0x3FFE];
	_ =	sdelay $0x1  }
0x8a: {  	s1 =	srdreg.scid  }
0x8b: {  	s0 =	sand.u32 $0x1, s1  }
0x8c: {  	s16 =	sshll.u32 s0, $0xA;
	s2 =	sadd.s32 s3, s2  }
0x8d: {  	s2 =	sadd.s32 s2, s16  }
0x8e: {  	[smem:$0x3FB7] =	sst s2  }
0x8f: {  	_ = 	snop  }
0x90: {  	(tm) =	ssettm $0x1  }
0x91: {  	s17 =	sld [smem:$0x3FFB];
	_ =	sdelay $0x3  }
0x92: {  	_ =	strace s17  }
0x93: {  	s2 =	sld [smem:$0x3FFC];
	_ =	sdelay $0x3  }
0x94: {  	_ =	strace s2  }
0x95: {  	s2 =	sld [smem:$0x3FFD];
	_ =	sdelay $0x3  }
0x96: {  	_ =	strace s2  }
0x97: {  	_ =	strace $0x8FFFFFFF  }
0x98: {  	s18 =	sld [smem:$0x3FDB];
	_ =	sdelay $0x1  }
0x99: {  	s19 =	simm.s32 $_scs_section_size  }
0x9a: {  	s4 =	simm.s32 $_size__tile_overlayer_lowered;
	s5 =	simm.s32 $_tile_overlayer_lowered  }
0x9b: {  	s22 =	simm.s32 $0x1BFF;
	s21 =	sshll.u32 s5, $0x1;
	s2 =	sadd.s32 s19, s18  }
0x9c: {  	s6 =	simm.s32 $0x0;
	s20 =	sshll.u32 s4, $0x1;
	s4 =	sadd.s32 s21, s2  }
0x9d: {  	[timem:s6], [sflag:s22] =	dma.local [hbm:s4], s20  }
0x9e: {  	_ =	swait.ge [sflag:s22], s20  }
0x9f: {  	s3 =	ssub.s32 $0x0, s20;
	[sflag:s22] =	ssyncset.done $0x0  }
0xa0: {  	[sflag:s22] =	ssyncadd.s32 s3;
	_ =	sdelay $0x1  }
0xa1: {  	s23 =	simm.s32 $0x1B8B  }
0xa2: {  	_ =	swait.ge [sflag:s23], $0x1  }
0xa3: {  	[sflag:s23] =	ssyncset.done $0x0  }
0xa4: {  	s25 =	simm.s32 $0x1B8E;
	s24 =	sld [smem:$0x3FFE];
	[sflag:s23] =	ssyncadd.s32 $0xFFFFFFFF  }
0xa5: {  	s26 =	simm.s32 $execute0_lowered;
	[smem:$0x3FD2] =	sst s25  }
0xa6: {  	s4 =	sshll.u32 s26, $0x1;
	_ =	strace $0x80000046;
	[dreg:$0x1] =	wrdreg $0xFFFFFFFF  }
0xa7: {  	s28 =	simm.s32 $_size_execute0_lowered;
	s2 =	sadd.s32 s2, s4;
	[dreg:$0x0] =	wrdreg $0x0  }
0xa8: {  	s4 =	sshll.u32 s28, $0x1;
	[dreg:$0x2] =	wrdreg s2  }
0xa9: {  	[dreg:$0x3] =	wrdreg s4  }
0xaa: {  	[dreg:$0x4] =	wrdreg $0xC0  }
0xab: {  	_ =	task [dreg:s6], $0x5FFFF  }
0xac: {  	[dreg:$0x1] =	wrdreg $0xFFFFFFFF  }
0xad: {  	[dreg:$0x0] =	wrdreg $0x60  }
0xae: {  	[dreg:$0x2] =	wrdreg s24  }
0xaf: {  	[dreg:$0x3] =	wrdreg $0xB0000  }
0xb0: {  	[dreg:$0x4] =	wrdreg $0x9  }
0xb1: {  	_ =	task.clear_ibuf [dreg:s6], $0x5FFFF;
	_ =	strace $0x90000046  }
0xb2: {  	s29 =	simm.s32 $0x9;
	_ =	strace $0x80000048  }
0xb3: {  	_ =	swait.ge [sflag:s29], $0x1  }
0xb4: {  	[sflag:s29] =	ssyncadd.s32 $0xFFFFFFFF  }
0xb5: {  	_ =	strace $0x90000048  }
0xb6: {  	_ =	sfence  }
0xb7: {  	s30 =	sld [smem:$0x0];
	_ =	sdelay $0x2  }
0xb8: {  	s31 =	sshll.u32 s1, $0xD;
	s1 =	sshrl.u32 s1, $0x2  }
0xb9: {  	s3 =	sand.u32 $0x4000, s31;
	s1 =	sadd.s32 s1, s30  }
0xba: {  	s0 =	sor.u32 s3, s0;
	s1 =	sshll.u32 s1, $0x11  }
0xbb: {  	s0 =	sor.u32 s1, s0  }
0xbc: {  	s0 =	sadd.s32 $0x8F2B, s0  }
0xbd: {  	[sflag:s0] =	ssyncadd.remote.s32 $0x1  }
0xbe: {  	_ =	sfence.sel $0xFFFF  }
0xbf: {  	[dreg:$0x0] =	wrdreg $0xFFFFFFFF;
	(pc) =	sbr.abs _section_cstart, $3  }
0xc0: {  	[dreg:$0x1] =	wrdreg $0xFFFFFFFF  }
0xc1: {  	_ =	task.clear_ibuf [dreg:s6], $0x2FFFF;
	_ =	strace $0x9FFFFFFF  }
0xc2: {  	(tm) =	ssettm $0x7FFFFFFF  }
0xc3: {  	_ =	shalt  }
tec
execute0_lowered:
.L_overlay_start_1:
0x0: {  	(tag) =	ssettag $0x1  }
0x1: {  	s6 =	rddreg [dreg:$0x0];
	s1 =	srdreg.scid  }
0x2: {  	s0 =	stileid.u32;
	s2 =	rddreg [dreg:$0x1];
	s3 =	simm.s32 $0x0  }
0x3: {  	s19 =	simm.s32 $0x9000;
	s20 =	simm.s32 $0x2;
	s4 =	smul.u32 $0x2800, s0  }
0x4: {  	s21 =	simm.s32 $0x2800;
	s22 =	simm.s32 $0x80;
	s9 =	smul.u32 $0x14000, s0  }
0x5: {  	s23 =	simm.s32 $0x5000;
	s5 =	sand.u32 $0x1, s1;
	s11 =	smul.u32 $0x50000, s0  }
0x6: {  	s24 =	simm.s32 $0x1;
	[smem:$0x7FF] =	sst s3;
	s7 =	smul.u32 $0x28000, s5  }
0x7: {  	s1 =	rddreg [dreg:$0x2];
	s8 =	smul.u32 $0x140000, s5;
	_ =	strace $0x80000047  }
0x8: {  	s29 =	ssub.s32 $0x2, s5;
	s10 =	sshrl.u32 s4, $0x3;
	s30 =	sshrl.u32 s11, $0x2  }
0x9: {  	s31 =	sshrl.u32 s29, $0x1;
	s7 =	sadd.s32 s4, s7;
	s4 =	sadd.s32 $0x7600, s6  }
0xa: {  	s16 =	sadd.s32 s10, s6;
	s28 =	sadd.s32 s9, s8;
	s5 =	sadd.s32 s30, s2  }
0xb: {  	s18 =	ssub.s32 s29, s31;
	s7 =	sshrl.u32 s7, $0x3;
	s8 =	sadd.s32 $0x6000, s5  }
0xc: {  	s9 =	sadd.s32 $0x8000, s5;
	s10 =	sadd.s32 $0xA000, s5;
	s11 =	sadd.s32 $0xC000, s5  }
0xd: {  	s12 =	sadd.s32 $0xE000, s5;
	s13 =	sadd.s32 $0x10000, s5;
	s14 =	sadd.s32 $0x12000, s5  }
0xe: {  	s16 =	sadd.s32 $0x2600, s16;
	s15 =	sadd.s32 s7, s6;
	s7 =	sshrl.u32 s28, $0x3  }
0xf: {  	s18 =	smax.u32 s18, $0x1;
	s17 =	sadd.s32 s7, s6;
	s6 =	sadd.s32 $0x2000, s5  }
0x10: {  	v0 =	vimm.f32 $0.0e+00;
	s7 =	sadd.s32 $0x4000, s5;
	s15 =	sadd.s32 $0x55800, s15;
	s17 =	sadd.s32 $0x5F800, s17  }
.LBB2_1:
0x11: {  	s25 =	simm.s32 $0x0;
	s26 =	simm.s32 $0x200  }
.LBB2_2:
0x12: {  	p0 =	sne.s32 s26, $0x7E00;
	[tilespmem:s25+$0x9070] =	vst v0  }
0x13: {  	[tilespmem:s25+$0x9000] =	vst v0  }
0x14: {  	[tilespmem:s25+$0x9010] =	vst v0  }
.Ltmp0:
0x15: {  	[tilespmem:s25+$0x9020] =	vst v0;
	(pc) =	sbr.rel @p0 .LBB2_2-.Ltmp0, $4  }
0x16: {  	[tilespmem:s25+$0x9030] =	vst v0  }
0x17: {  	[tilespmem:s25+$0x9040] =	vst v0  }
0x18: {  	[tilespmem:s25+$0x9050] =	vst v0  }
0x19: {  	[tilespmem:s25+$0x9060] =	vst v0;
	s25 =	sshra.s32 s26, $0x2;
	s26 =	sadd.s32 $0x200, s26  }
0x1a: {  	[tilespmem:s25+$0x9070] =	vst v0  }
0x1b: {  	[tilespmem:s25+$0x9000] =	vst v0  }
0x1c: {  	[tilespmem:s25+$0x9010] =	vst v0  }
0x1d: {  	[tilespmem:s25+$0x9020] =	vst v0  }
0x1e: {  	[tilespmem:s25+$0x9030] =	vst v0  }
0x1f: {  	[tilespmem:s25+$0x9040] =	vst v0  }
0x20: {  	[tilespmem:s25+$0x9050] =	vst v0  }
0x21: {  	[tilespmem:s25+$0x9060] =	vst v0  }
0x22: {  	[spmem:s5] =	stream.linear.scatter [tilespmem:s19], [sflag:$0x2], $0x2000, $0x38;
	[tilespmem:$0x1F000] =	vst v63  }
0x23: {  	_ =	swait.ge [sflag:s20], $0x2000  }
0x24: {  	[sflag:s20] =	ssyncset.done $0x0  }
0x25: {  	[sflag:s20] =	ssyncadd.s32 $0xFFFFE000  }
0x26: {  	[spmem:s6] =	stream.linear.scatter [tilespmem:s19], [sflag:$0x2], $0x2000, $0x38;
	[tilespmem:$0x1F000] =	vst v63  }
0x27: {  	_ =	swait.ge [sflag:s20], $0x2000  }
0x28: {  	[sflag:s20] =	ssyncset.done $0x0  }
0x29: {  	[sflag:s20] =	ssyncadd.s32 $0xFFFFE000  }
0x2a: {  	[spmem:s7] =	stream.linear.scatter [tilespmem:s19], [sflag:$0x2], $0x2000, $0x38;
	[tilespmem:$0x1F000] =	vst v63  }
0x2b: {  	_ =	swait.ge [sflag:s20], $0x2000  }
0x2c: {  	[sflag:s20] =	ssyncset.done $0x0  }
0x2d: {  	[sflag:s20] =	ssyncadd.s32 $0xFFFFE000  }
0x2e: {  	[spmem:s8] =	stream.linear.scatter [tilespmem:s19], [sflag:$0x2], $0x2000, $0x38;
	[tilespmem:$0x1F000] =	vst v63  }
0x2f: {  	_ =	swait.ge [sflag:s20], $0x2000  }
0x30: {  	[sflag:s20] =	ssyncset.done $0x0  }
0x31: {  	[sflag:s20] =	ssyncadd.s32 $0xFFFFE000  }
0x32: {  	[spmem:s9] =	stream.linear.scatter [tilespmem:s19], [sflag:$0x2], $0x2000, $0x38;
	[tilespmem:$0x1F000] =	vst v63  }
0x33: {  	_ =	swait.ge [sflag:s20], $0x2000  }
0x34: {  	[sflag:s20] =	ssyncset.done $0x0  }
0x35: {  	[sflag:s20] =	ssyncadd.s32 $0xFFFFE000  }
0x36: {  	[spmem:s10] =	stream.linear.scatter [tilespmem:s19], [sflag:$0x2], $0x2000, $0x38;
	[tilespmem:$0x1F000] =	vst v63  }
0x37: {  	_ =	swait.ge [sflag:s20], $0x2000  }
0x38: {  	[sflag:s20] =	ssyncset.done $0x0  }
0x39: {  	[sflag:s20] =	ssyncadd.s32 $0xFFFFE000  }
0x3a: {  	[spmem:s11] =	stream.linear.scatter [tilespmem:s19], [sflag:$0x2], $0x2000, $0x38;
	[tilespmem:$0x1F000] =	vst v63  }
0x3b: {  	_ =	swait.ge [sflag:s20], $0x2000  }
0x3c: {  	[sflag:s20] =	ssyncset.done $0x0  }
0x3d: {  	[sflag:s20] =	ssyncadd.s32 $0xFFFFE000  }
0x3e: {  	[spmem:s12] =	stream.linear.scatter [tilespmem:s19], [sflag:$0x2], $0x2000, $0x38;
	[tilespmem:$0x1F000] =	vst v63  }
0x3f: {  	_ =	swait.ge [sflag:s20], $0x2000  }
0x40: {  	[sflag:s20] =	ssyncset.done $0x0  }
0x41: {  	[sflag:s20] =	ssyncadd.s32 $0xFFFFE000  }
0x42: {  	[spmem:s13] =	stream.linear.scatter [tilespmem:s19], [sflag:$0x2], $0x2000, $0x38;
	[tilespmem:$0x1F000] =	vst v63  }
0x43: {  	_ =	swait.ge [sflag:s20], $0x2000  }
0x44: {  	[sflag:s20] =	ssyncset.done $0x0  }
0x45: {  	[sflag:s20] =	ssyncadd.s32 $0xFFFFE000  }
0x46: {  	[spmem:s14] =	stream.linear.scatter [tilespmem:s19], [sflag:$0x2], $0x2000, $0x38;
	[tilespmem:$0x1F000] =	vst v63  }
0x47: {  	_ =	swait.ge [sflag:s20], $0x2000  }
0x48: {  	[sflag:s20] =	ssyncset.done $0x0  }
0x49: {  	[sflag:s20] =	ssyncadd.s32 $0xFFFFE000  }
0x4a: {  	s29 =	simm.s32 $0x0;
	[bflag:$0x0] =	sbarrier.arrive $0xFFFF  }
0x4b: {  	[tilespmem:s29], [sflag:$0x2] =	stream.linear.gather [hbm4b:s15+s29], $0x2780, $0x38;
	[tilespmem:$0x1F000] =	vst v63  }
0x4c: {  	_ =	swait.ge [sflag:s20], $0x2780  }
0x4d: {  	[sflag:s20] =	ssyncset.done $0x0  }
0x4e: {  	[sflag:s20] =	ssyncadd.s32 $0xFFFFD880  }
0x4f: {  	[tilespmem:s21], [sflag:$0x2] =	stream.linear.gather [hbm4b:s16+s29], $0x2780, $0x38;
	[tilespmem:$0x1F000] =	vst v63  }
0x50: {  	_ =	swait.ge [sflag:s20], $0x2780  }
0x51: {  	[sflag:s20] =	ssyncset.done $0x0  }
0x52: {  	s30 =	simm.s32 $0x0;
	[sflag:s20] =	ssyncadd.s32 $0xFFFFD880  }
0x53: {  	[tilespmem:s23], [sflag:$0x1] =	stream.indirect.gather [hbm4b:s4+s22], $0x80, s30, s22, $0xb8;
	[tilespmem:$0x1F000] =	vst v63  }
0x54: {  	_ =	swait.ge [sflag:s24], $0x4000  }
0x55: {  	[sflag:s24] =	ssyncset.done $0x0  }
0x56: {  	s31 =	simm.s32 $0x2800;
	[sflag:s24] =	ssyncadd.s32 $0xFFFFC000  }
0x57: {  	[spmem:s2] =	stream.indirect.scatter.add.f32 [tilespmem:s23], [sflag:$0x2], $0x80, s31, s22, $0xb8;
	[tilespmem:$0x1F000] =	vst v63  }
0x58: {  	_ =	swait.ge [sflag:s20], $0x4000  }
0x59: {  	s25 =	simm.s32 $0x200;
	s26 =	simm.s32 $0x400;
	[sflag:s20] =	ssyncset.done $0x0  }
.LBB2_4:
0x5a: {  	s28 =	sshra.s32 s25, $0x2  }
0x5b: {  	[sflag:s20] =	ssyncadd.s32 $0xFFFFC000;
	s25 =	smov.u32 s26;
	s29 =	sadd.s32 $0x200, s26  }
0x5c: {  	[tilespmem:s23], [sflag:$0x1] =	stream.indirect.gather [hbm4b:s4+s22], $0x80, s28, s22, $0xb8;
	[tilespmem:$0x1F000] =	vst v63  }
0x5d: {  	p0 =	sne.s32 s26, $0x9C00;
	_ =	swait.ge [sflag:s24], $0x4000  }
.Ltmp1:
0x5e: {  	[sflag:s24] =	ssyncset.done $0x0;
	(pc) =	sbr.rel @p0 .LBB2_4-.Ltmp1, $4  }
0x5f: {  	s26 =	sadd.s32 $0x2800, s28;
	[sflag:s24] =	ssyncadd.s32 $0xFFFFC000  }
0x60: {  	[spmem:s2] =	stream.indirect.scatter.add.f32 [tilespmem:s23], [sflag:$0x2], $0x80, s26, s22, $0xb8;
	[tilespmem:$0x1F000] =	vst v63  }
0x61: {  	_ =	swait.ge [sflag:s20], $0x4000  }
0x62: {  	s26 =	smov.u32 s29;
	[sflag:s20] =	ssyncset.done $0x0  }
0x63: {  	s25 =	sshra.s32 s25, $0x2;
	[sflag:s20] =	ssyncadd.s32 $0xFFFFC000  }
0x64: {  	[tilespmem:s23], [sflag:$0x1] =	stream.indirect.gather [hbm4b:s4+s22], $0x80, s25, s22, $0xb8;
	[tilespmem:$0x1F000] =	vst v63  }
0x65: {  	_ =	swait.ge [sflag:s24], $0x4000  }
0x66: {  	[sflag:s24] =	ssyncset.done $0x0  }
0x67: {  	s25 =	sadd.s32 $0x2800, s25;
	[sflag:s24] =	ssyncadd.s32 $0xFFFFC000  }
0x68: {  	[spmem:s2] =	stream.indirect.scatter.add.f32 [tilespmem:s23], [sflag:$0x2], $0x80, s25, s22, $0xb8;
	[tilespmem:$0x1F000] =	vst v63  }
0x69: {  	_ =	swait.ge [sflag:s20], $0x4000  }
0x6a: {  	s31 =	sshll.u32 s0, $0x6;
	s3 =	sadd.s32 $0x1, s3;
	[sflag:s20] =	ssyncset.done $0x0  }
0x6b: {  	s26 =	sshrl.u32 s5, $0x3;
	p0 =	sne.s32 s3, s18;
	[sflag:s20] =	ssyncadd.s32 $0xFFFFC000  }
.Ltmp2:
0x6c: {  	s25 =	sor.u32 $0x1C02, s31;
	[bflag:$0x0] =	sbarrier.arrive $0xFFFF;
	(pc) =	sbr.rel @p0 .LBB2_1-.Ltmp2, $4  }
0x6d: {  	[hbm:s17], [sflag:s25] =	dma.local [spmem:s26], $0x2800  }
0x6e: {  	_ =	swait.ge [sflag:s20], $0x2800  }
0x6f: {  	[sflag:s20] =	ssyncset.done $0x0  }
0x70: {  	[sflag:s20] =	ssyncadd.s32 $0xFFFFD800  }
0x71: {  	_ =	sfence.sel $0x180000  }
0x72: {  	[bflag:$0x0] =	sbarrier.arrive $0xFFFF  }
0x73: {  	p0 =	sne.s32 s0, $0x0;
	_ =	strace $0x90000047  }
0x74: {  	s0 =	sadd.s32 @!p0 $0x100000, s1;
	[bflag:$0x2] =	sbarrier.arrive $0xFFFF  }
0x75: {  	[sflag:s0] =	ssyncadd.tile.s32 @!p0 $0x1;
	_ =	shalt  }
.Lfunc_end2:
_tile_overlayer_lowered:
.L_overlay_start_2:
0x76: {  	(tag) =	ssettag $0x2  }
0x77: {  	s0 =	rddreg [dreg:$0x0];
	s2 =	stileid.u32  }
0x78: {  	s1 =	rddreg [dreg:$0x1];
	p0 =	sne.s32 s2, $0x0  }
0x79: {  	s3 =	rddreg [dreg:$0x2];
	[bflag:$0x3] =	sbarrier.arrive $0xFFFF;
	s2 =	simm.s32 @!p0 $0x1C02  }
0x7a: {  	[timem:s3], [sflag:s2] =	dma.local @!p0 [hbm:s0], s1  }
0x7b: {  	s0 =	simm.s32 @!p0 $0x2  }
0x7c: {  	_ =	swait.ge @!p0 [sflag:s0], s1  }
0x7d: {  	s1 =	ssub.s32 @!p0 $0x0, s1;
	[sflag:s0] =	ssyncset.done @!p0 $0x0  }
0x7e: {  	[sflag:s0] =	ssyncadd.s32 @!p0 s1  }
0x7f: {  	[bflag:$0x3] =	sbarrier.arrive $0xFFFF  }
0x80: {  	_ =	shalt  }

</sc_bundles>
